<compile_context>
chip_gen: v7x
topology: tpu7x:2x2x1
jax: 0.10.2.dev20260603
libtpu: 0.0.44.dev20260713+nightly
codegen_flags: <defaults>
</compile_context>

<pallas_src>
import functools
import math

import jax
import jax.numpy as jnp
from jax import lax
from jax.experimental import pallas as pl
from jax.experimental.pallas import tpu as pltpu
from jax.experimental.pallas import tpu_sc as plsc

_NW = 32
_GRID = 16
_NBINS = _GRID ** 3


def _prep_body(ct_ref, idx_ref, *, B):
    R128 = ct_ref.shape[0] // (3 * B)
    g1 = jnp.float32(_GRID - 1)

    def nrm(v):
        mn = jnp.min(v)
        rg = jnp.max(v) - mn + 1e-6
        q = ((v - mn) / rg * g1).astype(jnp.int32)
        return jnp.clip(q, 0, _GRID - 1).astype(jnp.float32)

    for b in range(B):
        base = b * 3 * R128
        x = ct_ref[pl.ds(base, R128), :]
        y = ct_ref[pl.ds(base + R128, R128), :]
        z = ct_ref[pl.ds(base + 2 * R128, R128), :]
        s = nrm(x) * 256.0 + nrm(y) * 16.0 + nrm(z)
        idx_ref[pl.ds(b * R128, R128), :] = s


def _featsum_body(feat_ref, acc_ref):
    @pl.when(pl.program_id(0) == 0)
    def _init():
        acc_ref[...] = jnp.zeros_like(acc_ref)

    acc_ref[...] += jnp.sum(feat_ref[...], axis=1)


def _softmax(x):
    m = jnp.max(x, axis=-1, keepdims=True)
    e = jnp.exp(x - m)
    return e / jnp.sum(e, axis=-1, keepdims=True)


def _final_body(hp_ref, sums_ref, w1_ref, b1_ref, w2_ref, b2_ref, gum_ref,
                t_ref, rw_ref, logits_ref, *, B, N, nparts):
    rows = _NBINS // 128
    hp = hp_ref[...].reshape(B, nparts, rows, 128)
    counts = jnp.sum(hp, axis=1)
    hist = counts / (jnp.float32(N) + 1e-6)
    dmean = jnp.mean(hist, axis=(1, 2), keepdims=True)
    d = hist - dmean
    var = jnp.sum(d * d, axis=(1, 2), keepdims=True) / (_NBINS - 1)
    skew = (jnp.mean(d * d * d, axis=(1, 2), keepdims=True)
            / (var * jnp.sqrt(var) + 1e-6))
    dmean = dmean.reshape(B, 1)
    var = var.reshape(B, 1)
    skew = skew.reshape(B, 1)
    g_feat = sums_ref[...] / jnp.float32(N)
    lognf = jnp.full((B, 1), (math.log(N) - 8.0) / 4.0, jnp.float32)
    ri = jnp.concatenate([g_feat, lognf, dmean, var, skew], axis=1)
    dn = (((1,), (1,)), ((), ()))
    h = jnp.maximum(
        lax.dot_general(ri, w1_ref[...], dn, preferred_element_type=jnp.float32)
        + b1_ref[...], 0.0)
    logits = (lax.dot_general(h, w2_ref[...], dn, preferred_element_type=jnp.float32)
              + b2_ref[...])
    logits_ref[...] = logits
    rwe = _softmax(logits)
    rwt = _softmax(logits + gum_ref[...])
    rw_ref[...] = jnp.where(t_ref[0, 0] != 0, rwt, rwe)


def _sc_hist_body(idx_hbm, out_hbm, ibuf, hist, *, npts):
    nc = 2
    wid = lax.axis_index("s") * nc + lax.axis_index("c")
    pltpu.sync_copy(idx_hbm.at[pl.ds(wid * npts, npts)], ibuf)

    zeros16 = jnp.zeros((16,), jnp.float32)

    def zero_body(j, carry):
        hist[pl.ds(j * 16, 16)] = zeros16
        return carry

    lax.fori_loop(0, _NBINS // 16, zero_body, 0)

    ones16 = jnp.ones((16,), jnp.float32)

    def body(i, carry):
        idx = ibuf[pl.ds(i * 16, 16)].astype(jnp.int32)
        plsc.addupdate_scatter(hist, [idx], ones16)
        return carry

    lax.fori_loop(0, npts // 16, body, 0)
    pltpu.sync_copy(hist, out_hbm.at[pl.ds(wid * _NBINS, _NBINS)])


def _sc_hist(idx_flat, total):
    npts = total // _NW
    mesh = plsc.VectorSubcoreMesh(core_axis_name="c", subcore_axis_name="s")
    body = functools.partial(_sc_hist_body, npts=npts)
    fn = pl.kernel(
        body,
        mesh=mesh,
        compiler_params=pltpu.CompilerParams(needs_layout_passes=False),
        out_type=jax.ShapeDtypeStruct((_NW * _NBINS,), jnp.float32),
        scratch_types=[
            pltpu.VMEM((npts,), jnp.float32),
            pltpu.VMEM((_NBINS,), jnp.float32),
        ],
    )
    return fn(idx_flat)


def kernel(feat_3d, coords, training, W1, b1, W2, b2):
    B, N, C = feat_3d.shape
    R128 = N // 128
    ct2 = lax.reshape(coords, (B * 3 * R128, 128), dimensions=(0, 2, 1))

    idx = pl.pallas_call(
        functools.partial(_prep_body, B=B),
        out_shape=jax.ShapeDtypeStruct((B * R128, 128), jnp.float32),
    )(ct2)

    hp = _sc_hist(idx.reshape(-1), B * N)
    hp2 = hp.reshape(_NW * (_NBINS // 128), 128)

    chunk = 4096
    sums = pl.pallas_call(
        _featsum_body,
        grid=(N // chunk,),
        in_specs=[pl.BlockSpec((B, chunk, C), lambda i: (0, i, 0))],
        out_specs=pl.BlockSpec((B, C), lambda i: (0, 0)),
        out_shape=jax.ShapeDtypeStruct((B, C), jnp.float32),
    )(feat_3d)

    u = jax.random.uniform(jax.random.key(42), (B, 3), dtype=jnp.float32)
    gumbel = -jnp.log(-jnp.log(u + 1e-10) + 1e-10)
    tflag = jnp.asarray(training, jnp.int32).reshape(1, 1)

    out_sd = jax.ShapeDtypeStruct((B, 3), jnp.float32)
    final = functools.partial(_final_body, B=B, N=N, nparts=_NW // B)
    rw, logits = pl.pallas_call(
        final,
        out_shape=[out_sd, out_sd],
    )(hp2, sums, W1, b1.reshape(1, -1), W2, b2.reshape(1, -1), gumbel, tflag)

    return rw, logits

# --- scband reference (transcript-rebuilt; emitter-appended) ---
"""Pipeline reference for scband-fusion-router-87857851007089 (READ-ONLY COPY).

The authoritative reference and input builder live on the scoring server;
editing this copy changes nothing except your own understanding.
"""

import jax, jax.numpy as jnp
import numpy as np


def setup_inputs(seed: int = 0):
    key = jax.random.key(seed)
    k1, k2, k3, k4 = jax.random.split(key, 4)
    B, N, C, H = 4, 32768, 256, 64
    feat_3d = jax.random.normal(k1, (B, N, C), dtype=jnp.float32)
    coords = jax.random.uniform(k2, (B, N, 3), dtype=jnp.float32)
    din = C + 4
    lim1 = float(np.sqrt(6.0 / (din + H)))
    W1 = jax.random.uniform(k3, (H, din), minval=-lim1, maxval=lim1, dtype=jnp.float32)
    b1 = jnp.zeros((H,), jnp.float32)
    lim2 = float(np.sqrt(6.0 / (H + 3)))
    W2 = jax.random.uniform(k4, (3, H), minval=-lim2, maxval=lim2, dtype=jnp.float32)
    b2 = jnp.zeros((3,), jnp.float32)
    return {"feat_3d": feat_3d, "coords": coords, "training": False,
            "W1": W1, "b1": b1, "W2": W2, "b2": b2}


def _scale_statistics(coords):
    if coords.ndim == 2:
        coords = coords[None]
    B, N = coords.shape[0], coords.shape[1]
    log_n = jnp.log(jnp.asarray(N, dtype=jnp.float32))
    log_n_norm = (log_n - 8.0) / 4.0
    log_n_feat = jnp.broadcast_to(log_n_norm.reshape(1, 1), (B, 1))
    grid_size = 16
    coords_min = coords.min(axis=1, keepdims=True)
    coords_max = coords.max(axis=1, keepdims=True)
    coords_range = coords_max - coords_min + 1e-06
    coords_norm = (coords - coords_min) / coords_range * (grid_size - 1)
    coords_idx = jnp.clip(coords_norm.astype(jnp.int32), 0, grid_size - 1)
    grid_idx = coords_idx[..., 0] * grid_size * grid_size + coords_idx[..., 1] * grid_size + coords_idx[..., 2]
    nbins = grid_size ** 3
    offsets = nbins * jnp.arange(B, dtype=grid_idx.dtype)[:, None]
    flat = (grid_idx + offsets).reshape(-1)
    hist = jnp.bincount(flat, minlength=nbins * B, length=nbins * B).reshape(B, nbins).astype(jnp.float32)
    hist = hist / (N + 1e-06)
    density_mean = hist.mean(axis=1)
    density_var = jnp.var(hist, axis=1, ddof=1)
    density_skew = ((hist - density_mean[:, None]) ** 3).mean(axis=1) / (density_var ** 1.5 + 1e-06)
    density_feat = jnp.stack([density_mean, density_var, density_skew], axis=1)
    return jnp.concatenate([log_n_feat, density_feat], axis=1)


def reference(feat_3d, coords, training, W1, b1, W2, b2):
    if feat_3d.ndim == 3:
        g_feat = feat_3d.mean(axis=1)
    else:
        g_feat = feat_3d
    scale_stats = _scale_statistics(coords)
    router_input = jnp.concatenate([g_feat, scale_stats], axis=1)
    h = jax.nn.relu(router_input @ W1.T + b1)
    logits = h @ W2.T + b2
    temperature = 1.0
    u = jax.random.uniform(jax.random.key(42), logits.shape, dtype=logits.dtype)
    gumbel = -jnp.log(-jnp.log(u + 1e-10) + 1e-10)
    routing_weights_train = jax.nn.softmax((logits + gumbel) / temperature, axis=-1)
    routing_weights_eval = jax.nn.softmax(logits / temperature, axis=-1)
    routing_weights = jnp.where(training, routing_weights_train, routing_weights_eval)
    return routing_weights, logits

if __name__ == "__main__":
    import jax
    _d = setup_inputs()
    print(jax.jit(kernel)(*tuple(_d.values())))

</pallas_src>

<mosaic_0001>
#map = affine_map<(d0, d1) -> (0)>
module attributes {stable_mosaic.version = 14 : i64} {
  func.func @_sc_hist_body(%arg0: i32, %arg1: i32, %arg2: memref<131072xf32, #tpu.memory_space<hbm>>, %arg3: memref<131072xf32, #tpu.memory_space<hbm>>, %arg4: memref<4096xf32, #tpu.memory_space<vmem>>, %arg5: memref<4096xf32, #tpu.memory_space<vmem>>) attributes {dimension_semantics = [#tpu.dimension_semantics<core_parallel>, #tpu.dimension_semantics<subcore_parallel>], iteration_bounds = array<i64: 2, 16>, scalar_prefetch = 0 : i64, scratch_operands = 2 : i64, tpu.core_type = #tpu.core_type<sc_vector_subcore>, window_params = [{transform_indices = #map}, {transform_indices = #map}]} {
    %mul3A = arith.constant 2 : i32
    %mul3A_0 = arith.muli %arg1, %mul3A : i32
    %add3A = arith.addi %mul3A_0, %arg0 : i32
    %mul3A_1 = arith.constant 4096 : i32
    %mul3A_2 = arith.muli %add3A, %mul3A_1 : i32
    "tpu.region"() ({
      %run_scoped3A = tpu.sem_alloc : memref<!tpu.dma_semaphore, #tpu.memory_space<semaphore_mem>>
      %dma_start3A = tpu.memref_slice %arg2[%mul3A_2] : memref<131072xf32, #tpu.memory_space<hbm>> -> memref<4096xf32, #tpu.memory_space<hbm>>
      %dma_start3A_19 = tpu.memref_slice %arg2[%mul3A_2] : memref<131072xf32, #tpu.memory_space<hbm>> -> memref<4096xf32, #tpu.memory_space<hbm>>
      tpu.enqueue_dma source(%dma_start3A_19 : memref<4096xf32, #tpu.memory_space<hbm>>) target(%arg4 : memref<4096xf32, #tpu.memory_space<vmem>>) target_semaphore(%run_scoped3A : memref<!tpu.dma_semaphore, #tpu.memory_space<semaphore_mem>>)
      %dma_wait3A = tpu.memref_slice %arg2[%mul3A_2] : memref<131072xf32, #tpu.memory_space<hbm>> -> memref<4096xf32, #tpu.memory_space<hbm>>
      %dma_wait3A_20 = tpu.memref_slice %arg2[%mul3A_2] : memref<131072xf32, #tpu.memory_space<hbm>> -> memref<4096xf32, #tpu.memory_space<hbm>>
      tpu.wait_dma2 semaphore(%run_scoped3A : memref<!tpu.dma_semaphore, #tpu.memory_space<semaphore_mem>>) src(%dma_wait3A_20 : memref<4096xf32, #tpu.memory_space<hbm>>) dst(%arg4 : memref<4096xf32, #tpu.memory_space<vmem>>)
      tpu.yield
    }) : () -> ()
    %broadcast_in_dim3A = arith.constant 0.000000e+00 : f32
    %broadcast_in_dim3A_3 = vector.broadcast %broadcast_in_dim3A : f32 to vector<16xf32>
    %scan3A = arith.constant 0 : i32
    %scan3A_4 = arith.constant 0 : i32
    %scan3A_5 = arith.constant 256 : i32
    %scan3A_6 = arith.addi %scan3A_4, %scan3A_5 : i32
    %scan3A_7 = arith.constant 1 : i32
    scf.for %scan3A_19 = %scan3A_4 to %scan3A_6 step %scan3A_7  : i32 {
      %mul3A_20 = arith.constant 16 : i32
      %mul3A_21 = arith.muli %scan3A_19, %mul3A_20 : i32
      %swap3A = arith.index_cast %mul3A_21 : i32 to index
      %swap3A_22 = tpu.vector_load %arg5[%swap3A] {strides = array<i32>} : memref<4096xf32, #tpu.memory_space<vmem>>, vector<16xf32>,
      tpu.vector_store %arg5[%swap3A], %broadcast_in_dim3A_3 {strides = array<i32>} : memref<4096xf32, #tpu.memory_space<vmem>>, vector<16xf32>,
    }
    %scan3A_8 = arith.constant 256 : i32
    %broadcast_in_dim3A_9 = arith.constant 1.000000e+00 : f32
    %broadcast_in_dim3A_10 = vector.broadcast %broadcast_in_dim3A_9 : f32 to vector<16xf32>
    %scan3A_11 = arith.constant 0 : i32
    %scan3A_12 = arith.constant 0 : i32
    %scan3A_13 = arith.constant 256 : i32
    %scan3A_14 = arith.addi %scan3A_12, %scan3A_13 : i32
    %scan3A_15 = arith.constant 1 : i32
    scf.for %scan3A_19 = %scan3A_12 to %scan3A_14 step %scan3A_15  : i32 {
      %mul3A_20 = arith.constant 16 : i32
      %mul3A_21 = arith.muli %scan3A_19, %mul3A_20 : i32
      %get3A = arith.index_cast %mul3A_21 : i32 to index
      %get3A_22 = tpu.vector_load %arg4[%get3A] {strides = array<i32>} : memref<4096xf32, #tpu.memory_space<vmem>>, vector<16xf32>,
      %convert_element_type3A = arith.fptosi %get3A_22 : vector<16xf32> to vector<16xi32>
      tpu.vector_store_idx %arg5[%convert_element_type3A], %broadcast_in_dim3A_10 {add = true} : memref<4096xf32, #tpu.memory_space<vmem>>[vector<16xi32>], vector<16xf32>,
    }
    %scan3A_16 = arith.constant 256 : i32
    %mul3A_17 = arith.constant 4096 : i32
    %mul3A_18 = arith.muli %add3A, %mul3A_17 : i32
    "tpu.region"() ({
      %run_scoped3A = tpu.sem_alloc : memref<!tpu.dma_semaphore, #tpu.memory_space<semaphore_mem>>
      %dma_start3A = tpu.memref_slice %arg3[%mul3A_18] : memref<131072xf32, #tpu.memory_space<hbm>> -> memref<4096xf32, #tpu.memory_space<hbm>>
      %dma_start3A_19 = tpu.memref_slice %arg3[%mul3A_18] : memref<131072xf32, #tpu.memory_space<hbm>> -> memref<4096xf32, #tpu.memory_space<hbm>>
      tpu.enqueue_dma source(%arg5 : memref<4096xf32, #tpu.memory_space<vmem>>) target(%dma_start3A_19 : memref<4096xf32, #tpu.memory_space<hbm>>) target_semaphore(%run_scoped3A : memref<!tpu.dma_semaphore, #tpu.memory_space<semaphore_mem>>)
      %dma_wait3A = tpu.memref_slice %arg3[%mul3A_18] : memref<131072xf32, #tpu.memory_space<hbm>> -> memref<4096xf32, #tpu.memory_space<hbm>>
      %dma_wait3A_20 = tpu.memref_slice %arg3[%mul3A_18] : memref<131072xf32, #tpu.memory_space<hbm>> -> memref<4096xf32, #tpu.memory_space<hbm>>
      tpu.wait_dma2 semaphore(%run_scoped3A : memref<!tpu.dma_semaphore, #tpu.memory_space<semaphore_mem>>) src(%arg5 : memref<4096xf32, #tpu.memory_space<vmem>>) dst(%dma_wait3A_20 : memref<4096xf32, #tpu.memory_space<hbm>>)
      tpu.yield
    }) : () -> ()
    return
  }
}

module attributes {stable_mosaic.version = 14 : i64} {
  func.func @_prep_body(%arg0: memref<3072x128xf32, #tpu.memory_space<vmem>>, %arg1: memref<1024x128xf32, #tpu.memory_space<vmem>>) attributes {dimension_semantics = [], scalar_prefetch = 0 : i64, scratch_operands = 0 : i64, tpu.core_type = #tpu.core_type<tc>} {
    %get3A = arith.constant 0 : index
    %get3A_0 = arith.constant 0 : index
    %get3A_1 = vector.load %arg0[%get3A, %get3A_0] : memref<3072x128xf32, #tpu.memory_space<vmem>>, vector<256x128xf32>
    %get3A_2 = arith.constant 256 : index
    %get3A_3 = arith.constant 0 : index
    %get3A_4 = vector.load %arg0[%get3A_2, %get3A_3] : memref<3072x128xf32, #tpu.memory_space<vmem>>, vector<256x128xf32>
    %get3A_5 = arith.constant 512 : index
    %get3A_6 = arith.constant 0 : index
    %get3A_7 = vector.load %arg0[%get3A_5, %get3A_6] : memref<3072x128xf32, #tpu.memory_space<vmem>>, vector<256x128xf32>
    %reduce_min3A = vector.shape_cast %get3A_1 : vector<256x128xf32> to vector<1x256x128xf32>
    %reduce_min3A_8 = arith.constant dense<0x7F800000> : vector<1xf32>
    %reduce_min3A_9 = vector.multi_reduction <minimumf>, %reduce_min3A, %reduce_min3A_8 [1, 2] : vector<1x256x128xf32> to vector<1xf32>
    %reduce_min3A_10 = vector.shape_cast %reduce_min3A_9 : vector<1xf32> to vector<1x1x1xf32>
    %reduce_min3A_11 = vector.extract %reduce_min3A_10[0, 0, 0] : f32 from vector<1x1x1xf32>
    %reduce_max3A = vector.shape_cast %get3A_1 : vector<256x128xf32> to vector<1x256x128xf32>
    %reduce_max3A_12 = arith.constant dense<0xFF800000> : vector<1xf32>
    %reduce_max3A_13 = vector.multi_reduction <maximumf>, %reduce_max3A, %reduce_max3A_12 [1, 2] : vector<1x256x128xf32> to vector<1xf32>
    %reduce_max3A_14 = vector.shape_cast %reduce_max3A_13 : vector<1xf32> to vector<1x1x1xf32>
    %reduce_max3A_15 = vector.extract %reduce_max3A_14[0, 0, 0] : f32 from vector<1x1x1xf32>
    %sub3A = arith.subf %reduce_max3A_15, %reduce_min3A_11 : f32
    %add3A = arith.constant 9.99999997E-7 : f32
    %add3A_16 = arith.addf %sub3A, %add3A : f32
    %sub3A_17 = vector.broadcast %reduce_min3A_11 : f32 to vector<256x128xf32>
    %sub3A_18 = arith.subf %get3A_1, %sub3A_17 : vector<256x128xf32>
    %div3A = vector.broadcast %add3A_16 : f32 to vector<256x128xf32>
    %div3A_19 = arith.divf %sub3A_18, %div3A : vector<256x128xf32>
    %mul3A = arith.constant 1.500000e+01 : f32
    %mul3A_20 = vector.broadcast %mul3A : f32 to vector<256x128xf32>
    %mul3A_21 = arith.mulf %div3A_19, %mul3A_20 : vector<256x128xf32>
    %convert_element_type3A = arith.fptosi %mul3A_21 : vector<256x128xf32> to vector<256x128xi32>
    %jit3A = arith.constant 0 : i32
    %jit3A_22 = arith.constant 15 : i32
    %max3A = vector.broadcast %jit3A : i32 to vector<256x128xi32>
    %max3A_23 = arith.maxsi %max3A, %convert_element_type3A : vector<256x128xi32>
    %min3A = vector.broadcast %jit3A_22 : i32 to vector<256x128xi32>
    %min3A_24 = arith.minsi %min3A, %max3A_23 : vector<256x128xi32>
    %convert_element_type3A_25 = arith.sitofp %min3A_24 : vector<256x128xi32> to vector<256x128xf32>
    %mul3A_26 = arith.constant 2.560000e+02 : f32
    %mul3A_27 = vector.broadcast %mul3A_26 : f32 to vector<256x128xf32>
    %mul3A_28 = arith.mulf %convert_element_type3A_25, %mul3A_27 : vector<256x128xf32>
    %reduce_min3A_29 = vector.shape_cast %get3A_4 : vector<256x128xf32> to vector<1x256x128xf32>
    %reduce_min3A_30 = arith.constant dense<0x7F800000> : vector<1xf32>
    %reduce_min3A_31 = vector.multi_reduction <minimumf>, %reduce_min3A_29, %reduce_min3A_30 [1, 2] : vector<1x256x128xf32> to vector<1xf32>
    %reduce_min3A_32 = vector.shape_cast %reduce_min3A_31 : vector<1xf32> to vector<1x1x1xf32>
    %reduce_min3A_33 = vector.extract %reduce_min3A_32[0, 0, 0] : f32 from vector<1x1x1xf32>
    %reduce_max3A_34 = vector.shape_cast %get3A_4 : vector<256x128xf32> to vector<1x256x128xf32>
    %reduce_max3A_35 = arith.constant dense<0xFF800000> : vector<1xf32>
    %reduce_max3A_36 = vector.multi_reduction <maximumf>, %reduce_max3A_34, %reduce_max3A_35 [1, 2] : vector<1x256x128xf32> to vector<1xf32>
    %reduce_max3A_37 = vector.shape_cast %reduce_max3A_36 : vector<1xf32> to vector<1x1x1xf32>
    %reduce_max3A_38 = vector.extract %reduce_max3A_37[0, 0, 0] : f32 from vector<1x1x1xf32>
    %sub3A_39 = arith.subf %reduce_max3A_38, %reduce_min3A_33 : f32
    %add3A_40 = arith.constant 9.99999997E-7 : f32
    %add3A_41 = arith.addf %sub3A_39, %add3A_40 : f32
    %sub3A_42 = vector.broadcast %reduce_min3A_33 : f32 to vector<256x128xf32>
    %sub3A_43 = arith.subf %get3A_4, %sub3A_42 : vector<256x128xf32>
    %div3A_44 = vector.broadcast %add3A_41 : f32 to vector<256x128xf32>
    %div3A_45 = arith.divf %sub3A_43, %div3A_44 : vector<256x128xf32>
    %mul3A_46 = arith.constant 1.500000e+01 : f32
    %mul3A_47 = vector.broadcast %mul3A_46 : f32 to vector<256x128xf32>
    %mul3A_48 = arith.mulf %div3A_45, %mul3A_47 : vector<256x128xf32>
    %convert_element_type3A_49 = arith.fptosi %mul3A_48 : vector<256x128xf32> to vector<256x128xi32>
    %jit3A_50 = arith.constant 0 : i32
    %jit3A_51 = arith.constant 15 : i32
    %max3A_52 = vector.broadcast %jit3A_50 : i32 to vector<256x128xi32>
    %max3A_53 = arith.maxsi %max3A_52, %convert_element_type3A_49 : vector<256x128xi32>
    %min3A_54 = vector.broadcast %jit3A_51 : i32 to vector<256x128xi32>
    %min3A_55 = arith.minsi %min3A_54, %max3A_53 : vector<256x128xi32>
    %convert_element_type3A_56 = arith.sitofp %min3A_55 : vector<256x128xi32> to vector<256x128xf32>
    %mul3A_57 = arith.constant 1.600000e+01 : f32
    %mul3A_58 = vector.broadcast %mul3A_57 : f32 to vector<256x128xf32>
    %mul3A_59 = arith.mulf %convert_element_type3A_56, %mul3A_58 : vector<256x128xf32>
    %add3A_60 = arith.addf %mul3A_28, %mul3A_59 : vector<256x128xf32>
    %reduce_min3A_61 = vector.shape_cast %get3A_7 : vector<256x128xf32> to vector<1x256x128xf32>
    %reduce_min3A_62 = arith.constant dense<0x7F800000> : vector<1xf32>
    %reduce_min3A_63 = vector.multi_reduction <minimumf>, %reduce_min3A_61, %reduce_min3A_62 [1, 2] : vector<1x256x128xf32> to vector<1xf32>
    %reduce_min3A_64 = vector.shape_cast %reduce_min3A_63 : vector<1xf32> to vector<1x1x1xf32>
    %reduce_min3A_65 = vector.extract %reduce_min3A_64[0, 0, 0] : f32 from vector<1x1x1xf32>
    %reduce_max3A_66 = vector.shape_cast %get3A_7 : vector<256x128xf32> to vector<1x256x128xf32>
    %reduce_max3A_67 = arith.constant dense<0xFF800000> : vector<1xf32>
    %reduce_max3A_68 = vector.multi_reduction <maximumf>, %reduce_max3A_66, %reduce_max3A_67 [1, 2] : vector<1x256x128xf32> to vector<1xf32>
    %reduce_max3A_69 = vector.shape_cast %reduce_max3A_68 : vector<1xf32> to vector<1x1x1xf32>
    %reduce_max3A_70 = vector.extract %reduce_max3A_69[0, 0, 0] : f32 from vector<1x1x1xf32>
    %sub3A_71 = arith.subf %reduce_max3A_70, %reduce_min3A_65 : f32
    %add3A_72 = arith.constant 9.99999997E-7 : f32
    %add3A_73 = arith.addf %sub3A_71, %add3A_72 : f32
    %sub3A_74 = vector.broadcast %reduce_min3A_65 : f32 to vector<256x128xf32>
    %sub3A_75 = arith.subf %get3A_7, %sub3A_74 : vector<256x128xf32>
    %div3A_76 = vector.broadcast %add3A_73 : f32 to vector<256x128xf32>
    %div3A_77 = arith.divf %sub3A_75, %div3A_76 : vector<256x128xf32>
    %mul3A_78 = arith.constant 1.500000e+01 : f32
    %mul3A_79 = vector.broadcast %mul3A_78 : f32 to vector<256x128xf32>
    %mul3A_80 = arith.mulf %div3A_77, %mul3A_79 : vector<256x128xf32>
    %convert_element_type3A_81 = arith.fptosi %mul3A_80 : vector<256x128xf32> to vector<256x128xi32>
    %jit3A_82 = arith.constant 0 : i32
    %jit3A_83 = arith.constant 15 : i32
    %max3A_84 = vector.broadcast %jit3A_82 : i32 to vector<256x128xi32>
    %max3A_85 = arith.maxsi %max3A_84, %convert_element_type3A_81 : vector<256x128xi32>
    %min3A_86 = vector.broadcast %jit3A_83 : i32 to vector<256x128xi32>
    %min3A_87 = arith.minsi %min3A_86, %max3A_85 : vector<256x128xi32>
    %convert_element_type3A_88 = arith.sitofp %min3A_87 : vector<256x128xi32> to vector<256x128xf32>
    %add3A_89 = arith.addf %add3A_60, %convert_element_type3A_88 : vector<256x128xf32>
    %swap3A = arith.constant 0 : index
    %swap3A_90 = arith.constant 0 : index
    %swap3A_91 = vector.load %arg1[%swap3A, %swap3A_90] : memref<1024x128xf32, #tpu.memory_space<vmem>>, vector<256x128xf32>
    tpu.vector_store %arg1[%swap3A, %swap3A_90], %add3A_89 {strides = array<i32>} : memref<1024x128xf32, #tpu.memory_space<vmem>>, vector<256x128xf32>,
    %get3A_92 = arith.constant 768 : index
    %get3A_93 = arith.constant 0 : index
    %get3A_94 = vector.load %arg0[%get3A_92, %get3A_93] : memref<3072x128xf32, #tpu.memory_space<vmem>>, vector<256x128xf32>
    %get3A_95 = arith.constant 1024 : index
    %get3A_96 = arith.constant 0 : index
    %get3A_97 = vector.load %arg0[%get3A_95, %get3A_96] : memref<3072x128xf32, #tpu.memory_space<vmem>>, vector<256x128xf32>
    %get3A_98 = arith.constant 1280 : index
    %get3A_99 = arith.constant 0 : index
    %get3A_100 = vector.load %arg0[%get3A_98, %get3A_99] : memref<3072x128xf32, #tpu.memory_space<vmem>>, vector<256x128xf32>
    %reduce_min3A_101 = vector.shape_cast %get3A_94 : vector<256x128xf32> to vector<1x256x128xf32>
    %reduce_min3A_102 = arith.constant dense<0x7F800000> : vector<1xf32>
    %reduce_min3A_103 = vector.multi_reduction <minimumf>, %reduce_min3A_101, %reduce_min3A_102 [1, 2] : vector<1x256x128xf32> to vector<1xf32>
    %reduce_min3A_104 = vector.shape_cast %reduce_min3A_103 : vector<1xf32> to vector<1x1x1xf32>
    %reduce_min3A_105 = vector.extract %reduce_min3A_104[0, 0, 0] : f32 from vector<1x1x1xf32>
    %reduce_max3A_106 = vector.shape_cast %get3A_94 : vector<256x128xf32> to vector<1x256x128xf32>
    %reduce_max3A_107 = arith.constant dense<0xFF800000> : vector<1xf32>
    %reduce_max3A_108 = vector.multi_reduction <maximumf>, %reduce_max3A_106, %reduce_max3A_107 [1, 2] : vector<1x256x128xf32> to vector<1xf32>
    %reduce_max3A_109 = vector.shape_cast %reduce_max3A_108 : vector<1xf32> to vector<1x1x1xf32>
    %reduce_max3A_110 = vector.extract %reduce_max3A_109[0, 0, 0] : f32 from vector<1x1x1xf32>
    %sub3A_111 = arith.subf %reduce_max3A_110, %reduce_min3A_105 : f32
    %add3A_112 = arith.constant 9.99999997E-7 : f32
    %add3A_113 = arith.addf %sub3A_111, %add3A_112 : f32
    %sub3A_114 = vector.broadcast %reduce_min3A_105 : f32 to vector<256x128xf32>
    %sub3A_115 = arith.subf %get3A_94, %sub3A_114 : vector<256x128xf32>
    %div3A_116 = vector.broadcast %add3A_113 : f32 to vector<256x128xf32>
    %div3A_117 = arith.divf %sub3A_115, %div3A_116 : vector<256x128xf32>
    %mul3A_118 = arith.constant 1.500000e+01 : f32
    %mul3A_119 = vector.broadcast %mul3A_118 : f32 to vector<256x128xf32>
    %mul3A_120 = arith.mulf %div3A_117, %mul3A_119 : vector<256x128xf32>
    %convert_element_type3A_121 = arith.fptosi %mul3A_120 : vector<256x128xf32> to vector<256x128xi32>
    %jit3A_122 = arith.constant 0 : i32
    %jit3A_123 = arith.constant 15 : i32
    %max3A_124 = vector.broadcast %jit3A_122 : i32 to vector<256x128xi32>
    %max3A_125 = arith.maxsi %max3A_124, %convert_element_type3A_121 : vector<256x128xi32>
    %min3A_126 = vector.broadcast %jit3A_123 : i32 to vector<256x128xi32>
    %min3A_127 = arith.minsi %min3A_126, %max3A_125 : vector<256x128xi32>
    %convert_element_type3A_128 = arith.sitofp %min3A_127 : vector<256x128xi32> to vector<256x128xf32>
    %mul3A_129 = arith.constant 2.560000e+02 : f32
    %mul3A_130 = vector.broadcast %mul3A_129 : f32 to vector<256x128xf32>
    %mul3A_131 = arith.mulf %convert_element_type3A_128, %mul3A_130 : vector<256x128xf32>
    %reduce_min3A_132 = vector.shape_cast %get3A_97 : vector<256x128xf32> to vector<1x256x128xf32>
    %reduce_min3A_133 = arith.constant dense<0x7F800000> : vector<1xf32>
    %reduce_min3A_134 = vector.multi_reduction <minimumf>, %reduce_min3A_132, %reduce_min3A_133 [1, 2] : vector<1x256x128xf32> to vector<1xf32>
    %reduce_min3A_135 = vector.shape_cast %reduce_min3A_134 : vector<1xf32> to vector<1x1x1xf32>
    %reduce_min3A_136 = vector.extract %reduce_min3A_135[0, 0, 0] : f32 from vector<1x1x1xf32>
    %reduce_max3A_137 = vector.shape_cast %get3A_97 : vector<256x128xf32> to vector<1x256x128xf32>
    %reduce_max3A_138 = arith.constant dense<0xFF800000> : vector<1xf32>
    %reduce_max3A_139 = vector.multi_reduction <maximumf>, %reduce_max3A_137, %reduce_max3A_138 [1, 2] : vector<1x256x128xf32> to vector<1xf32>
    %reduce_max3A_140 = vector.shape_cast %reduce_max3A_139 : vector<1xf32> to vector<1x1x1xf32>
    %reduce_max3A_141 = vector.extract %reduce_max3A_140[0, 0, 0] : f32 from vector<1x1x1xf32>
    %sub3A_142 = arith.subf %reduce_max3A_141, %reduce_min3A_136 : f32
    %add3A_143 = arith.constant 9.99999997E-7 : f32
    %add3A_144 = arith.addf %sub3A_142, %add3A_143 : f32
    %sub3A_145 = vector.broadcast %reduce_min3A_136 : f32 to vector<256x128xf32>
    %sub3A_146 = arith.subf %get3A_97, %sub3A_145 : vector<256x128xf32>
    %div3A_147 = vector.broadcast %add3A_144 : f32 to vector<256x128xf32>
    %div3A_148 = arith.divf %sub3A_146, %div3A_147 : vector<256x128xf32>
    %mul3A_149 = arith.constant 1.500000e+01 : f32
    %mul3A_150 = vector.broadcast %mul3A_149 : f32 to vector<256x128xf32>
    %mul3A_151 = arith.mulf %div3A_148, %mul3A_150 : vector<256x128xf32>
    %convert_element_type3A_152 = arith.fptosi %mul3A_151 : vector<256x128xf32> to vector<256x128xi32>
    %jit3A_153 = arith.constant 0 : i32
    %jit3A_154 = arith.constant 15 : i32
    %max3A_155 = vector.broadcast %jit3A_153 : i32 to vector<256x128xi32>
    %max3A_156 = arith.maxsi %max3A_155, %convert_element_type3A_152 : vector<256x128xi32>
    %min3A_157 = vector.broadcast %jit3A_154 : i32 to vector<256x128xi32>
    %min3A_158 = arith.minsi %min3A_157, %max3A_156 : vector<256x128xi32>
    %convert_element_type3A_159 = arith.sitofp %min3A_158 : vector<256x128xi32> to vector<256x128xf32>
    %mul3A_160 = arith.constant 1.600000e+01 : f32
    %mul3A_161 = vector.broadcast %mul3A_160 : f32 to vector<256x128xf32>
    %mul3A_162 = arith.mulf %convert_element_type3A_159, %mul3A_161 : vector<256x128xf32>
    %add3A_163 = arith.addf %mul3A_131, %mul3A_162 : vector<256x128xf32>
    %reduce_min3A_164 = vector.shape_cast %get3A_100 : vector<256x128xf32> to vector<1x256x128xf32>
    %reduce_min3A_165 = arith.constant dense<0x7F800000> : vector<1xf32>
    %reduce_min3A_166 = vector.multi_reduction <minimumf>, %reduce_min3A_164, %reduce_min3A_165 [1, 2] : vector<1x256x128xf32> to vector<1xf32>
    %reduce_min3A_167 = vector.shape_cast %reduce_min3A_166 : vector<1xf32> to vector<1x1x1xf32>
    %reduce_min3A_168 = vector.extract %reduce_min3A_167[0, 0, 0] : f32 from vector<1x1x1xf32>
    %reduce_max3A_169 = vector.shape_cast %get3A_100 : vector<256x128xf32> to vector<1x256x128xf32>
    %reduce_max3A_170 = arith.constant dense<0xFF800000> : vector<1xf32>
    %reduce_max3A_171 = vector.multi_reduction <maximumf>, %reduce_max3A_169, %reduce_max3A_170 [1, 2] : vector<1x256x128xf32> to vector<1xf32>
    %reduce_max3A_172 = vector.shape_cast %reduce_max3A_171 : vector<1xf32> to vector<1x1x1xf32>
    %reduce_max3A_173 = vector.extract %reduce_max3A_172[0, 0, 0] : f32 from vector<1x1x1xf32>
    %sub3A_174 = arith.subf %reduce_max3A_173, %reduce_min3A_168 : f32
    %add3A_175 = arith.constant 9.99999997E-7 : f32
    %add3A_176 = arith.addf %sub3A_174, %add3A_175 : f32
    %sub3A_177 = vector.broadcast %reduce_min3A_168 : f32 to vector<256x128xf32>
    %sub3A_178 = arith.subf %get3A_100, %sub3A_177 : vector<256x128xf32>
    %div3A_179 = vector.broadcast %add3A_176 : f32 to vector<256x128xf32>
    %div3A_180 = arith.divf %sub3A_178, %div3A_179 : vector<256x128xf32>
    %mul3A_181 = arith.constant 1.500000e+01 : f32
    %mul3A_182 = vector.broadcast %mul3A_181 : f32 to vector<256x128xf32>
    %mul3A_183 = arith.mulf %div3A_180, %mul3A_182 : vector<256x128xf32>
    %convert_element_type3A_184 = arith.fptosi %mul3A_183 : vector<256x128xf32> to vector<256x128xi32>
    %jit3A_185 = arith.constant 0 : i32
    %jit3A_186 = arith.constant 15 : i32
    %max3A_187 = vector.broadcast %jit3A_185 : i32 to vector<256x128xi32>
    %max3A_188 = arith.maxsi %max3A_187, %convert_element_type3A_184 : vector<256x128xi32>
    %min3A_189 = vector.broadcast %jit3A_186 : i32 to vector<256x128xi32>
    %min3A_190 = arith.minsi %min3A_189, %max3A_188 : vector<256x128xi32>
    %convert_element_type3A_191 = arith.sitofp %min3A_190 : vector<256x128xi32> to vector<256x128xf32>
    %add3A_192 = arith.addf %add3A_163, %convert_element_type3A_191 : vector<256x128xf32>
    %swap3A_193 = arith.constant 256 : index
    %swap3A_194 = arith.constant 0 : index
    %swap3A_195 = vector.load %arg1[%swap3A_193, %swap3A_194] : memref<1024x128xf32, #tpu.memory_space<vmem>>, vector<256x128xf32>
    tpu.vector_store %arg1[%swap3A_193, %swap3A_194], %add3A_192 {strides = array<i32>} : memref<1024x128xf32, #tpu.memory_space<vmem>>, vector<256x128xf32>,
    %get3A_196 = arith.constant 1536 : index
    %get3A_197 = arith.constant 0 : index
    %get3A_198 = vector.load %arg0[%get3A_196, %get3A_197] : memref<3072x128xf32, #tpu.memory_space<vmem>>, vector<256x128xf32>
    %get3A_199 = arith.constant 1792 : index
    %get3A_200 = arith.constant 0 : index
    %get3A_201 = vector.load %arg0[%get3A_199, %get3A_200] : memref<3072x128xf32, #tpu.memory_space<vmem>>, vector<256x128xf32>
    %get3A_202 = arith.constant 2048 : index
    %get3A_203 = arith.constant 0 : index
    %get3A_204 = vector.load %arg0[%get3A_202, %get3A_203] : memref<3072x128xf32, #tpu.memory_space<vmem>>, vector<256x128xf32>
    %reduce_min3A_205 = vector.shape_cast %get3A_198 : vector<256x128xf32> to vector<1x256x128xf32>
    %reduce_min3A_206 = arith.constant dense<0x7F800000> : vector<1xf32>
    %reduce_min3A_207 = vector.multi_reduction <minimumf>, %reduce_min3A_205, %reduce_min3A_206 [1, 2] : vector<1x256x128xf32> to vector<1xf32>
    %reduce_min3A_208 = vector.shape_cast %reduce_min3A_207 : vector<1xf32> to vector<1x1x1xf32>
    %reduce_min3A_209 = vector.extract %reduce_min3A_208[0, 0, 0] : f32 from vector<1x1x1xf32>
    %reduce_max3A_210 = vector.shape_cast %get3A_198 : vector<256x128xf32> to vector<1x256x128xf32>
    %reduce_max3A_211 = arith.constant dense<0xFF800000> : vector<1xf32>
    %reduce_max3A_212 = vector.multi_reduction <maximumf>, %reduce_max3A_210, %reduce_max3A_211 [1, 2] : vector<1x256x128xf32> to vector<1xf32>
    %reduce_max3A_213 = vector.shape_cast %reduce_max3A_212 : vector<1xf32> to vector<1x1x1xf32>
    %reduce_max3A_214 = vector.extract %reduce_max3A_213[0, 0, 0] : f32 from vector<1x1x1xf32>
    %sub3A_215 = arith.subf %reduce_max3A_214, %reduce_min3A_209 : f32
    %add3A_216 = arith.constant 9.99999997E-7 : f32
    %add3A_217 = arith.addf %sub3A_215, %add3A_216 : f32
    %sub3A_218 = vector.broadcast %reduce_min3A_209 : f32 to vector<256x128xf32>
    %sub3A_219 = arith.subf %get3A_198, %sub3A_218 : vector<256x128xf32>
    %div3A_220 = vector.broadcast %add3A_217 : f32 to vector<256x128xf32>
    %div3A_221 = arith.divf %sub3A_219, %div3A_220 : vector<256x128xf32>
    %mul3A_222 = arith.constant 1.500000e+01 : f32
    %mul3A_223 = vector.broadcast %mul3A_222 : f32 to vector<256x128xf32>
    %mul3A_224 = arith.mulf %div3A_221, %mul3A_223 : vector<256x128xf32>
    %convert_element_type3A_225 = arith.fptosi %mul3A_224 : vector<256x128xf32> to vector<256x128xi32>
    %jit3A_226 = arith.constant 0 : i32
    %jit3A_227 = arith.constant 15 : i32
    %max3A_228 = vector.broadcast %jit3A_226 : i32 to vector<256x128xi32>
    %max3A_229 = arith.maxsi %max3A_228, %convert_element_type3A_225 : vector<256x128xi32>
    %min3A_230 = vector.broadcast %jit3A_227 : i32 to vector<256x128xi32>
    %min3A_231 = arith.minsi %min3A_230, %max3A_229 : vector<256x128xi32>
    %convert_element_type3A_232 = arith.sitofp %min3A_231 : vector<256x128xi32> to vector<256x128xf32>
    %mul3A_233 = arith.constant 2.560000e+02 : f32
    %mul3A_234 = vector.broadcast %mul3A_233 : f32 to vector<256x128xf32>
    %mul3A_235 = arith.mulf %convert_element_type3A_232, %mul3A_234 : vector<256x128xf32>
    %reduce_min3A_236 = vector.shape_cast %get3A_201 : vector<256x128xf32> to vector<1x256x128xf32>
    %reduce_min3A_237 = arith.constant dense<0x7F800000> : vector<1xf32>
    %reduce_min3A_238 = vector.multi_reduction <minimumf>, %reduce_min3A_236, %reduce_min3A_237 [1, 2] : vector<1x256x128xf32> to vector<1xf32>
    %reduce_min3A_239 = vector.shape_cast %reduce_min3A_238 : vector<1xf32> to vector<1x1x1xf32>
    %reduce_min3A_240 = vector.extract %reduce_min3A_239[0, 0, 0] : f32 from vector<1x1x1xf32>
    %reduce_max3A_241 = vector.shape_cast %get3A_201 : vector<256x128xf32> to vector<1x256x128xf32>
    %reduce_max3A_242 = arith.constant dense<0xFF800000> : vector<1xf32>
    %reduce_max3A_243 = vector.multi_reduction <maximumf>, %reduce_max3A_241, %reduce_max3A_242 [1, 2] : vector<1x256x128xf32> to vector<1xf32>
    %reduce_max3A_244 = vector.shape_cast %reduce_max3A_243 : vector<1xf32> to vector<1x1x1xf32>
    %reduce_max3A_245 = vector.extract %reduce_max3A_244[0, 0, 0] : f32 from vector<1x1x1xf32>
    %sub3A_246 = arith.subf %reduce_max3A_245, %reduce_min3A_240 : f32
    %add3A_247 = arith.constant 9.99999997E-7 : f32
    %add3A_248 = arith.addf %sub3A_246, %add3A_247 : f32
    %sub3A_249 = vector.broadcast %reduce_min3A_240 : f32 to vector<256x128xf32>
    %sub3A_250 = arith.subf %get3A_201, %sub3A_249 : vector<256x128xf32>
    %div3A_251 = vector.broadcast %add3A_248 : f32 to vector<256x128xf32>
    %div3A_252 = arith.divf %sub3A_250, %div3A_251 : vector<256x128xf32>
    %mul3A_253 = arith.constant 1.500000e+01 : f32
    %mul3A_254 = vector.broadcast %mul3A_253 : f32 to vector<256x128xf32>
    %mul3A_255 = arith.mulf %div3A_252, %mul3A_254 : vector<256x128xf32>
    %convert_element_type3A_256 = arith.fptosi %mul3A_255 : vector<256x128xf32> to vector<256x128xi32>
    %jit3A_257 = arith.constant 0 : i32
    %jit3A_258 = arith.constant 15 : i32
    %max3A_259 = vector.broadcast %jit3A_257 : i32 to vector<256x128xi32>
    %max3A_260 = arith.maxsi %max3A_259, %convert_element_type3A_256 : vector<256x128xi32>
    %min3A_261 = vector.broadcast %jit3A_258 : i32 to vector<256x128xi32>
    %min3A_262 = arith.minsi %min3A_261, %max3A_260 : vector<256x128xi32>
    %convert_element_type3A_263 = arith.sitofp %min3A_262 : vector<256x128xi32> to vector<256x128xf32>
    %mul3A_264 = arith.constant 1.600000e+01 : f32
    %mul3A_265 = vector.broadcast %mul3A_264 : f32 to vector<256x128xf32>
    %mul3A_266 = arith.mulf %convert_element_type3A_263, %mul3A_265 : vector<256x128xf32>
    %add3A_267 = arith.addf %mul3A_235, %mul3A_266 : vector<256x128xf32>
    %reduce_min3A_268 = vector.shape_cast %get3A_204 : vector<256x128xf32> to vector<1x256x128xf32>
    %reduce_min3A_269 = arith.constant dense<0x7F800000> : vector<1xf32>
    %reduce_min3A_270 = vector.multi_reduction <minimumf>, %reduce_min3A_268, %reduce_min3A_269 [1, 2] : vector<1x256x128xf32> to vector<1xf32>
    %reduce_min3A_271 = vector.shape_cast %reduce_min3A_270 : vector<1xf32> to vector<1x1x1xf32>
    %reduce_min3A_272 = vector.extract %reduce_min3A_271[0, 0, 0] : f32 from vector<1x1x1xf32>
    %reduce_max3A_273 = vector.shape_cast %get3A_204 : vector<256x128xf32> to vector<1x256x128xf32>
    %reduce_max3A_274 = arith.constant dense<0xFF800000> : vector<1xf32>
    %reduce_max3A_275 = vector.multi_reduction <maximumf>, %reduce_max3A_273, %reduce_max3A_274 [1, 2] : vector<1x256x128xf32> to vector<1xf32>
    %reduce_max3A_276 = vector.shape_cast %reduce_max3A_275 : vector<1xf32> to vector<1x1x1xf32>
    %reduce_max3A_277 = vector.extract %reduce_max3A_276[0, 0, 0] : f32 from vector<1x1x1xf32>
    %sub3A_278 = arith.subf %reduce_max3A_277, %reduce_min3A_272 : f32
    %add3A_279 = arith.constant 9.99999997E-7 : f32
    %add3A_280 = arith.addf %sub3A_278, %add3A_279 : f32
    %sub3A_281 = vector.broadcast %reduce_min3A_272 : f32 to vector<256x128xf32>
    %sub3A_282 = arith.subf %get3A_204, %sub3A_281 : vector<256x128xf32>
    %div3A_283 = vector.broadcast %add3A_280 : f32 to vector<256x128xf32>
    %div3A_284 = arith.divf %sub3A_282, %div3A_283 : vector<256x128xf32>
    %mul3A_285 = arith.constant 1.500000e+01 : f32
    %mul3A_286 = vector.broadcast %mul3A_285 : f32 to vector<256x128xf32>
    %mul3A_287 = arith.mulf %div3A_284, %mul3A_286 : vector<256x128xf32>
    %convert_element_type3A_288 = arith.fptosi %mul3A_287 : vector<256x128xf32> to vector<256x128xi32>
    %jit3A_289 = arith.constant 0 : i32
    %jit3A_290 = arith.constant 15 : i32
    %max3A_291 = vector.broadcast %jit3A_289 : i32 to vector<256x128xi32>
    %max3A_292 = arith.maxsi %max3A_291, %convert_element_type3A_288 : vector<256x128xi32>
    %min3A_293 = vector.broadcast %jit3A_290 : i32 to vector<256x128xi32>
    %min3A_294 = arith.minsi %min3A_293, %max3A_292 : vector<256x128xi32>
    %convert_element_type3A_295 = arith.sitofp %min3A_294 : vector<256x128xi32> to vector<256x128xf32>
    %add3A_296 = arith.addf %add3A_267, %convert_element_type3A_295 : vector<256x128xf32>
    %swap3A_297 = arith.constant 512 : index
    %swap3A_298 = arith.constant 0 : index
    %swap3A_299 = vector.load %arg1[%swap3A_297, %swap3A_298] : memref<1024x128xf32, #tpu.memory_space<vmem>>, vector<256x128xf32>
    tpu.vector_store %arg1[%swap3A_297, %swap3A_298], %add3A_296 {strides = array<i32>} : memref<1024x128xf32, #tpu.memory_space<vmem>>, vector<256x128xf32>,
    %get3A_300 = arith.constant 2304 : index
    %get3A_301 = arith.constant 0 : index
    %get3A_302 = vector.load %arg0[%get3A_300, %get3A_301] : memref<3072x128xf32, #tpu.memory_space<vmem>>, vector<256x128xf32>
    %get3A_303 = arith.constant 2560 : index
    %get3A_304 = arith.constant 0 : index
    %get3A_305 = vector.load %arg0[%get3A_303, %get3A_304] : memref<3072x128xf32, #tpu.memory_space<vmem>>, vector<256x128xf32>
    %get3A_306 = arith.constant 2816 : index
    %get3A_307 = arith.constant 0 : index
    %get3A_308 = vector.load %arg0[%get3A_306, %get3A_307] : memref<3072x128xf32, #tpu.memory_space<vmem>>, vector<256x128xf32>
    %reduce_min3A_309 = vector.shape_cast %get3A_302 : vector<256x128xf32> to vector<1x256x128xf32>
    %reduce_min3A_310 = arith.constant dense<0x7F800000> : vector<1xf32>
    %reduce_min3A_311 = vector.multi_reduction <minimumf>, %reduce_min3A_309, %reduce_min3A_310 [1, 2] : vector<1x256x128xf32> to vector<1xf32>
    %reduce_min3A_312 = vector.shape_cast %reduce_min3A_311 : vector<1xf32> to vector<1x1x1xf32>
    %reduce_min3A_313 = vector.extract %reduce_min3A_312[0, 0, 0] : f32 from vector<1x1x1xf32>
    %reduce_max3A_314 = vector.shape_cast %get3A_302 : vector<256x128xf32> to vector<1x256x128xf32>
    %reduce_max3A_315 = arith.constant dense<0xFF800000> : vector<1xf32>
    %reduce_max3A_316 = vector.multi_reduction <maximumf>, %reduce_max3A_314, %reduce_max3A_315 [1, 2] : vector<1x256x128xf32> to vector<1xf32>
    %reduce_max3A_317 = vector.shape_cast %reduce_max3A_316 : vector<1xf32> to vector<1x1x1xf32>
    %reduce_max3A_318 = vector.extract %reduce_max3A_317[0, 0, 0] : f32 from vector<1x1x1xf32>
    %sub3A_319 = arith.subf %reduce_max3A_318, %reduce_min3A_313 : f32
    %add3A_320 = arith.constant 9.99999997E-7 : f32
    %add3A_321 = arith.addf %sub3A_319, %add3A_320 : f32
    %sub3A_322 = vector.broadcast %reduce_min3A_313 : f32 to vector<256x128xf32>
    %sub3A_323 = arith.subf %get3A_302, %sub3A_322 : vector<256x128xf32>
    %div3A_324 = vector.broadcast %add3A_321 : f32 to vector<256x128xf32>
    %div3A_325 = arith.divf %sub3A_323, %div3A_324 : vector<256x128xf32>
    %mul3A_326 = arith.constant 1.500000e+01 : f32
    %mul3A_327 = vector.broadcast %mul3A_326 : f32 to vector<256x128xf32>
    %mul3A_328 = arith.mulf %div3A_325, %mul3A_327 : vector<256x128xf32>
    %convert_element_type3A_329 = arith.fptosi %mul3A_328 : vector<256x128xf32> to vector<256x128xi32>
    %jit3A_330 = arith.constant 0 : i32
    %jit3A_331 = arith.constant 15 : i32
    %max3A_332 = vector.broadcast %jit3A_330 : i32 to vector<256x128xi32>
    %max3A_333 = arith.maxsi %max3A_332, %convert_element_type3A_329 : vector<256x128xi32>
    %min3A_334 = vector.broadcast %jit3A_331 : i32 to vector<256x128xi32>
    %min3A_335 = arith.minsi %min3A_334, %max3A_333 : vector<256x128xi32>
    %convert_element_type3A_336 = arith.sitofp %min3A_335 : vector<256x128xi32> to vector<256x128xf32>
    %mul3A_337 = arith.constant 2.560000e+02 : f32
    %mul3A_338 = vector.broadcast %mul3A_337 : f32 to vector<256x128xf32>
    %mul3A_339 = arith.mulf %convert_element_type3A_336, %mul3A_338 : vector<256x128xf32>
    %reduce_min3A_340 = vector.shape_cast %get3A_305 : vector<256x128xf32> to vector<1x256x128xf32>
    %reduce_min3A_341 = arith.constant dense<0x7F800000> : vector<1xf32>
    %reduce_min3A_342 = vector.multi_reduction <minimumf>, %reduce_min3A_340, %reduce_min3A_341 [1, 2] : vector<1x256x128xf32> to vector<1xf32>
    %reduce_min3A_343 = vector.shape_cast %reduce_min3A_342 : vector<1xf32> to vector<1x1x1xf32>
    %reduce_min3A_344 = vector.extract %reduce_min3A_343[0, 0, 0] : f32 from vector<1x1x1xf32>
    %reduce_max3A_345 = vector.shape_cast %get3A_305 : vector<256x128xf32> to vector<1x256x128xf32>
    %reduce_max3A_346 = arith.constant dense<0xFF800000> : vector<1xf32>
    %reduce_max3A_347 = vector.multi_reduction <maximumf>, %reduce_max3A_345, %reduce_max3A_346 [1, 2] : vector<1x256x128xf32> to vector<1xf32>
    %reduce_max3A_348 = vector.shape_cast %reduce_max3A_347 : vector<1xf32> to vector<1x1x1xf32>
    %reduce_max3A_349 = vector.extract %reduce_max3A_348[0, 0, 0] : f32 from vector<1x1x1xf32>
    %sub3A_350 = arith.subf %reduce_max3A_349, %reduce_min3A_344 : f32
    %add3A_351 = arith.constant 9.99999997E-7 : f32
    %add3A_352 = arith.addf %sub3A_350, %add3A_351 : f32
    %sub3A_353 = vector.broadcast %reduce_min3A_344 : f32 to vector<256x128xf32>
    %sub3A_354 = arith.subf %get3A_305, %sub3A_353 : vector<256x128xf32>
    %div3A_355 = vector.broadcast %add3A_352 : f32 to vector<256x128xf32>
    %div3A_356 = arith.divf %sub3A_354, %div3A_355 : vector<256x128xf32>
    %mul3A_357 = arith.constant 1.500000e+01 : f32
    %mul3A_358 = vector.broadcast %mul3A_357 : f32 to vector<256x128xf32>
    %mul3A_359 = arith.mulf %div3A_356, %mul3A_358 : vector<256x128xf32>
    %convert_element_type3A_360 = arith.fptosi %mul3A_359 : vector<256x128xf32> to vector<256x128xi32>
    %jit3A_361 = arith.constant 0 : i32
    %jit3A_362 = arith.constant 15 : i32
    %max3A_363 = vector.broadcast %jit3A_361 : i32 to vector<256x128xi32>
    %max3A_364 = arith.maxsi %max3A_363, %convert_element_type3A_360 : vector<256x128xi32>
    %min3A_365 = vector.broadcast %jit3A_362 : i32 to vector<256x128xi32>
    %min3A_366 = arith.minsi %min3A_365, %max3A_364 : vector<256x128xi32>
    %convert_element_type3A_367 = arith.sitofp %min3A_366 : vector<256x128xi32> to vector<256x128xf32>
    %mul3A_368 = arith.constant 1.600000e+01 : f32
    %mul3A_369 = vector.broadcast %mul3A_368 : f32 to vector<256x128xf32>
    %mul3A_370 = arith.mulf %convert_element_type3A_367, %mul3A_369 : vector<256x128xf32>
    %add3A_371 = arith.addf %mul3A_339, %mul3A_370 : vector<256x128xf32>
    %reduce_min3A_372 = vector.shape_cast %get3A_308 : vector<256x128xf32> to vector<1x256x128xf32>
    %reduce_min3A_373 = arith.constant dense<0x7F800000> : vector<1xf32>
    %reduce_min3A_374 = vector.multi_reduction <minimumf>, %reduce_min3A_372, %reduce_min3A_373 [1, 2] : vector<1x256x128xf32> to vector<1xf32>
    %reduce_min3A_375 = vector.shape_cast %reduce_min3A_374 : vector<1xf32> to vector<1x1x1xf32>
    %reduce_min3A_376 = vector.extract %reduce_min3A_375[0, 0, 0] : f32 from vector<1x1x1xf32>
    %reduce_max3A_377 = vector.shape_cast %get3A_308 : vector<256x128xf32> to vector<1x256x128xf32>
    %reduce_max3A_378 = arith.constant dense<0xFF800000> : vector<1xf32>
    %reduce_max3A_379 = vector.multi_reduction <maximumf>, %reduce_max3A_377, %reduce_max3A_378 [1, 2] : vector<1x256x128xf32> to vector<1xf32>
    %reduce_max3A_380 = vector.shape_cast %reduce_max3A_379 : vector<1xf32> to vector<1x1x1xf32>
    %reduce_max3A_381 = vector.extract %reduce_max3A_380[0, 0, 0] : f32 from vector<1x1x1xf32>
    %sub3A_382 = arith.subf %reduce_max3A_381, %reduce_min3A_376 : f32
    %add3A_383 = arith.constant 9.99999997E-7 : f32
    %add3A_384 = arith.addf %sub3A_382, %add3A_383 : f32
    %sub3A_385 = vector.broadcast %reduce_min3A_376 : f32 to vector<256x128xf32>
    %sub3A_386 = arith.subf %get3A_308, %sub3A_385 : vector<256x128xf32>
    %div3A_387 = vector.broadcast %add3A_384 : f32 to vector<256x128xf32>
    %div3A_388 = arith.divf %sub3A_386, %div3A_387 : vector<256x128xf32>
    %mul3A_389 = arith.constant 1.500000e+01 : f32
    %mul3A_390 = vector.broadcast %mul3A_389 : f32 to vector<256x128xf32>
    %mul3A_391 = arith.mulf %div3A_388, %mul3A_390 : vector<256x128xf32>
    %convert_element_type3A_392 = arith.fptosi %mul3A_391 : vector<256x128xf32> to vector<256x128xi32>
    %jit3A_393 = arith.constant 0 : i32
    %jit3A_394 = arith.constant 15 : i32
    %max3A_395 = vector.broadcast %jit3A_393 : i32 to vector<256x128xi32>
    %max3A_396 = arith.maxsi %max3A_395, %convert_element_type3A_392 : vector<256x128xi32>
    %min3A_397 = vector.broadcast %jit3A_394 : i32 to vector<256x128xi32>
    %min3A_398 = arith.minsi %min3A_397, %max3A_396 : vector<256x128xi32>
    %convert_element_type3A_399 = arith.sitofp %min3A_398 : vector<256x128xi32> to vector<256x128xf32>
    %add3A_400 = arith.addf %add3A_371, %convert_element_type3A_399 : vector<256x128xf32>
    %swap3A_401 = arith.constant 768 : index
    %swap3A_402 = arith.constant 0 : index
    %swap3A_403 = vector.load %arg1[%swap3A_401, %swap3A_402] : memref<1024x128xf32, #tpu.memory_space<vmem>>, vector<256x128xf32>
    tpu.vector_store %arg1[%swap3A_401, %swap3A_402], %add3A_400 {strides = array<i32>} : memref<1024x128xf32, #tpu.memory_space<vmem>>, vector<256x128xf32>,
    return
  }
}

module attributes {stable_mosaic.version = 14 : i64} {
  func.func @_featsum_body(%arg0: i32, %arg1: memref<4x4096x256xf32, #tpu.memory_space<vmem>>, %arg2: memref<4x256xf32, #tpu.memory_space<vmem>>) attributes {dimension_semantics = [#tpu.dimension_semantics<arbitrary>], iteration_bounds = array<i64: 8>, scalar_prefetch = 0 : i64, scratch_operands = 0 : i64, tpu.core_type = #tpu.core_type<tc>, window_params = [{transform_indices = @transform_0, window_bounds = array<i64: 4, 4096, 256>}, {pipeline_mode = #tpu.pipeline_mode<synchronous>, transform_indices = @transform_1, window_bounds = array<i64: 4, 256>}]} {
    %eq3A = arith.constant 0 : i32
    %eq3A_0 = arith.cmpi eq, %arg0, %eq3A : i32
    %convert_element_type3A = arith.extui %eq3A_0 : i1 to i32
    %cond3A = arith.constant 0 : i32
    %cond3A_1 = arith.cmpi ne, %convert_element_type3A, %cond3A : i32
    scf.if %cond3A_1 {
      %broadcast_in_dim3A = arith.constant 0.000000e+00 : f32
      %broadcast_in_dim3A_11 = vector.broadcast %broadcast_in_dim3A : f32 to vector<4x256xf32>
      %swap3A_12 = arith.constant 0 : index
      %swap3A_13 = arith.constant 0 : index
      %swap3A_14 = vector.load %arg2[%swap3A_12, %swap3A_13] : memref<4x256xf32, #tpu.memory_space<vmem>>, vector<4x256xf32>
      tpu.vector_store %arg2[%swap3A_12, %swap3A_13], %broadcast_in_dim3A_11 {strides = array<i32>} : memref<4x256xf32, #tpu.memory_space<vmem>>, vector<4x256xf32>,
    } else {
    }
    %get3A = arith.constant 0 : index
    %get3A_2 = arith.constant 0 : index
    %get3A_3 = vector.load %arg2[%get3A, %get3A_2] : memref<4x256xf32, #tpu.memory_space<vmem>>, vector<4x256xf32>
    %get3A_4 = arith.constant 0 : index
    %get3A_5 = arith.constant 0 : index
    %get3A_6 = arith.constant 0 : index
    %get3A_7 = vector.load %arg1[%get3A_4, %get3A_5, %get3A_6] : memref<4x4096x256xf32, #tpu.memory_space<vmem>>, vector<4x4096x256xf32>
    %reduce_sum3A = arith.constant dense<0.000000e+00> : vector<4x256xf32>
    %reduce_sum3A_8 = vector.multi_reduction <add>, %get3A_7, %reduce_sum3A [1] : vector<4x4096x256xf32> to vector<4x256xf32>
    %add3A = arith.addf %get3A_3, %reduce_sum3A_8 : vector<4x256xf32>
    %swap3A = arith.constant 0 : index
    %swap3A_9 = arith.constant 0 : index
    %swap3A_10 = vector.load %arg2[%swap3A, %swap3A_9] : memref<4x256xf32, #tpu.memory_space<vmem>>, vector<4x256xf32>
    tpu.vector_store %arg2[%swap3A, %swap3A_9], %add3A {strides = array<i32>} : memref<4x256xf32, #tpu.memory_space<vmem>>, vector<4x256xf32>,
    return
  }
  func.func @transform_0(%arg0: i32) -> (i32, i32, i32) {
    %c0_i32 = arith.constant 0 : i32
    %c0_i32_0 = arith.constant 0 : i32
    %c0_i32_1 = arith.constant 0 : i32
    return %c0_i32, %arg0, %c0_i32_0 : i32, i32, i32
  }
  func.func @transform_1(%arg0: i32) -> (i32, i32) {
    %c0_i32 = arith.constant 0 : i32
    %c0_i32_0 = arith.constant 0 : i32
    %c0_i32_1 = arith.constant 0 : i32
    return %c0_i32, %c0_i32_0 : i32, i32
  }
}

module attributes {stable_mosaic.version = 14 : i64} {
  func.func @_final_body(%arg0: memref<1024x128xf32, #tpu.memory_space<vmem>>, %arg1: memref<4x256xf32, #tpu.memory_space<vmem>>, %arg2: memref<64x260xf32, #tpu.memory_space<vmem>>, %arg3: memref<1x64xf32, #tpu.memory_space<vmem>>, %arg4: memref<3x64xf32, #tpu.memory_space<vmem>>, %arg5: memref<1x3xf32, #tpu.memory_space<vmem>>, %arg6: memref<4x3xf32, #tpu.memory_space<vmem>>, %arg7: memref<1x1xi32, #tpu.memory_space<vmem>>, %arg8: memref<4x3xf32, #tpu.memory_space<vmem>>, %arg9: memref<4x3xf32, #tpu.memory_space<vmem>>) attributes {dimension_semantics = [], scalar_prefetch = 0 : i64, scratch_operands = 0 : i64, tpu.core_type = #tpu.core_type<tc>} {
    %get3A = arith.constant 0 : index
    %get3A_0 = arith.constant 0 : index
    %get3A_1 = vector.load %arg0[%get3A, %get3A_0] : memref<1024x128xf32, #tpu.memory_space<vmem>>, vector<1024x128xf32>
    %reshape3A = vector.shape_cast %get3A_1 : vector<1024x128xf32> to vector<4x8x32x128xf32>
    %reduce_sum3A = arith.constant dense<0.000000e+00> : vector<4x32x128xf32>
    %reduce_sum3A_2 = vector.multi_reduction <add>, %reshape3A, %reduce_sum3A [1] : vector<4x8x32x128xf32> to vector<4x32x128xf32>
    %add3A = arith.constant 3.276800e+04 : f32
    %add3A_3 = arith.constant 9.99999997E-7 : f32
    %add3A_4 = arith.addf %add3A, %add3A_3 : f32
    %div3A = vector.broadcast %add3A_4 : f32 to vector<4x32x128xf32>
    %div3A_5 = arith.divf %reduce_sum3A_2, %div3A : vector<4x32x128xf32>
    %reduce_sum3A_6 = arith.constant dense<0.000000e+00> : vector<4xf32>
    %reduce_sum3A_7 = vector.multi_reduction <add>, %div3A_5, %reduce_sum3A_6 [1, 2] : vector<4x32x128xf32> to vector<4xf32>
    %broadcast_in_dim3A = vector.shape_cast %reduce_sum3A_7 : vector<4xf32> to vector<4x1x1xf32>
    %div3A_8 = arith.constant 4.096000e+03 : f32
    %div3A_9 = vector.broadcast %div3A_8 : f32 to vector<4x1x1xf32>
    %div3A_10 = arith.divf %broadcast_in_dim3A, %div3A_9 : vector<4x1x1xf32>
    %sub3A = vector.broadcast %div3A_10 : vector<4x1x1xf32> to vector<4x32x128xf32>
    %sub3A_11 = arith.subf %div3A_5, %sub3A : vector<4x32x128xf32>
    %mul3A = arith.mulf %sub3A_11, %sub3A_11 : vector<4x32x128xf32>
    %reduce_sum3A_12 = arith.constant dense<0.000000e+00> : vector<4xf32>
    %reduce_sum3A_13 = vector.multi_reduction <add>, %mul3A, %reduce_sum3A_12 [1, 2] : vector<4x32x128xf32> to vector<4xf32>
    %broadcast_in_dim3A_14 = vector.shape_cast %reduce_sum3A_13 : vector<4xf32> to vector<4x1x1xf32>
    %div3A_15 = arith.constant 4.095000e+03 : f32
    %div3A_16 = vector.broadcast %div3A_15 : f32 to vector<4x1x1xf32>
    %div3A_17 = arith.divf %broadcast_in_dim3A_14, %div3A_16 : vector<4x1x1xf32>
    %mul3A_18 = arith.mulf %sub3A_11, %sub3A_11 : vector<4x32x128xf32>
    %mul3A_19 = arith.mulf %mul3A_18, %sub3A_11 : vector<4x32x128xf32>
    %reduce_sum3A_20 = arith.constant dense<0.000000e+00> : vector<4xf32>
    %reduce_sum3A_21 = vector.multi_reduction <add>, %mul3A_19, %reduce_sum3A_20 [1, 2] : vector<4x32x128xf32> to vector<4xf32>
    %broadcast_in_dim3A_22 = vector.shape_cast %reduce_sum3A_21 : vector<4xf32> to vector<4x1x1xf32>
    %div3A_23 = arith.constant 4.096000e+03 : f32
    %div3A_24 = vector.broadcast %div3A_23 : f32 to vector<4x1x1xf32>
    %div3A_25 = arith.divf %broadcast_in_dim3A_22, %div3A_24 : vector<4x1x1xf32>
    %sqrt3A = math.sqrt %div3A_17 : vector<4x1x1xf32>
    %mul3A_26 = arith.mulf %div3A_17, %sqrt3A : vector<4x1x1xf32>
    %add3A_27 = arith.constant 9.99999997E-7 : f32
    %add3A_28 = vector.broadcast %add3A_27 : f32 to vector<4x1x1xf32>
    %add3A_29 = arith.addf %mul3A_26, %add3A_28 : vector<4x1x1xf32>
    %div3A_30 = arith.divf %div3A_25, %add3A_29 : vector<4x1x1xf32>
    %reshape3A_31 = vector.shape_cast %div3A_10 : vector<4x1x1xf32> to vector<4x1xf32>
    %reshape3A_32 = vector.shape_cast %div3A_17 : vector<4x1x1xf32> to vector<4x1xf32>
    %reshape3A_33 = vector.shape_cast %div3A_30 : vector<4x1x1xf32> to vector<4x1xf32>
    %get3A_34 = arith.constant 0 : index
    %get3A_35 = arith.constant 0 : index
    %get3A_36 = vector.load %arg1[%get3A_34, %get3A_35] : memref<4x256xf32, #tpu.memory_space<vmem>>, vector<4x256xf32>
    %div3A_37 = arith.constant 3.276800e+04 : f32
    %div3A_38 = vector.broadcast %div3A_37 : f32 to vector<4x256xf32>
    %div3A_39 = arith.divf %get3A_36, %div3A_38 : vector<4x256xf32>
    %broadcast_in_dim3A_40 = arith.constant 0.599301934 : f32
    %broadcast_in_dim3A_41 = vector.broadcast %broadcast_in_dim3A_40 : f32 to vector<4x1xf32>
    %concatenate3A = tpu.concatenate %div3A_39, %broadcast_in_dim3A_41, %reshape3A_31, %reshape3A_32, %reshape3A_33 in 1 : vector<4x256xf32>, vector<4x1xf32>, vector<4x1xf32>, vector<4x1xf32>, vector<4x1xf32> -> vector<4x260xf32>
    %get3A_42 = arith.constant 0 : index
    %get3A_43 = arith.constant 0 : index
    %get3A_44 = vector.load %arg2[%get3A_42, %get3A_43] : memref<64x260xf32, #tpu.memory_space<vmem>>, vector<64x260xf32>
    %dot_general3A = arith.constant dense<0.000000e+00> : vector<4x64xf32>
    %dot_general3A_45 = tpu.matmul %concatenate3A, %get3A_44, %dot_general3A {dimension_numbers = #tpu.dot_dimension_numbers<[1], [1], [0], [0], [0, 0, 1, 0], [], []>, transpose_lhs_hint = false} : vector<4x260xf32>, vector<64x260xf32>, vector<4x64xf32> -> vector<4x64xf32>
    %get3A_46 = arith.constant 0 : index
    %get3A_47 = arith.constant 0 : index
    %get3A_48 = vector.load %arg3[%get3A_46, %get3A_47] : memref<1x64xf32, #tpu.memory_space<vmem>>, vector<1x64xf32>
    %add3A_49 = vector.broadcast %get3A_48 : vector<1x64xf32> to vector<4x64xf32>
    %add3A_50 = arith.addf %dot_general3A_45, %add3A_49 : vector<4x64xf32>
    %max3A = arith.constant 0.000000e+00 : f32
    %max3A_51 = vector.broadcast %max3A : f32 to vector<4x64xf32>
    %max3A_52 = arith.maximumf %add3A_50, %max3A_51 : vector<4x64xf32>
    %get3A_53 = arith.constant 0 : index
    %get3A_54 = arith.constant 0 : index
    %get3A_55 = vector.load %arg4[%get3A_53, %get3A_54] : memref<3x64xf32, #tpu.memory_space<vmem>>, vector<3x64xf32>
    %dot_general3A_56 = arith.constant dense<0.000000e+00> : vector<4x3xf32>
    %dot_general3A_57 = tpu.matmul %max3A_52, %get3A_55, %dot_general3A_56 {dimension_numbers = #tpu.dot_dimension_numbers<[1], [1], [0], [0], [0, 0, 1, 0], [], []>, transpose_lhs_hint = false} : vector<4x64xf32>, vector<3x64xf32>, vector<4x3xf32> -> vector<4x3xf32>
    %get3A_58 = arith.constant 0 : index
    %get3A_59 = arith.constant 0 : index
    %get3A_60 = vector.load %arg5[%get3A_58, %get3A_59] : memref<1x3xf32, #tpu.memory_space<vmem>>, vector<1x3xf32>
    %add3A_61 = vector.broadcast %get3A_60 : vector<1x3xf32> to vector<4x3xf32>
    %add3A_62 = arith.addf %dot_general3A_57, %add3A_61 : vector<4x3xf32>
    %swap3A = arith.constant 0 : index
    %swap3A_63 = arith.constant 0 : index
    %swap3A_64 = vector.load %arg9[%swap3A, %swap3A_63] : memref<4x3xf32, #tpu.memory_space<vmem>>, vector<4x3xf32>
    tpu.vector_store %arg9[%swap3A, %swap3A_63], %add3A_62 {strides = array<i32>} : memref<4x3xf32, #tpu.memory_space<vmem>>, vector<4x3xf32>,
    %reduce_max3A = arith.constant dense<0xFF800000> : vector<4xf32>
    %reduce_max3A_65 = vector.multi_reduction <maximumf>, %add3A_62, %reduce_max3A [1] : vector<4x3xf32> to vector<4xf32>
    %broadcast_in_dim3A_66 = vector.shape_cast %reduce_max3A_65 : vector<4xf32> to vector<4x1xf32>
    %sub3A_67 = vector.broadcast %broadcast_in_dim3A_66 : vector<4x1xf32> to vector<4x3xf32>
    %sub3A_68 = arith.subf %add3A_62, %sub3A_67 : vector<4x3xf32>
    %exp3A = math.exp %sub3A_68 : vector<4x3xf32>
    %reduce_sum3A_69 = arith.constant dense<0.000000e+00> : vector<4xf32>
    %reduce_sum3A_70 = vector.multi_reduction <add>, %exp3A, %reduce_sum3A_69 [1] : vector<4x3xf32> to vector<4xf32>
    %broadcast_in_dim3A_71 = vector.shape_cast %reduce_sum3A_70 : vector<4xf32> to vector<4x1xf32>
    %div3A_72 = vector.broadcast %broadcast_in_dim3A_71 : vector<4x1xf32> to vector<4x3xf32>
    %div3A_73 = arith.divf %exp3A, %div3A_72 : vector<4x3xf32>
    %get3A_74 = arith.constant 0 : index
    %get3A_75 = arith.constant 0 : index
    %get3A_76 = vector.load %arg6[%get3A_74, %get3A_75] : memref<4x3xf32, #tpu.memory_space<vmem>>, vector<4x3xf32>
    %add3A_77 = arith.addf %add3A_62, %get3A_76 : vector<4x3xf32>
    %reduce_max3A_78 = arith.constant dense<0xFF800000> : vector<4xf32>
    %reduce_max3A_79 = vector.multi_reduction <maximumf>, %add3A_77, %reduce_max3A_78 [1] : vector<4x3xf32> to vector<4xf32>
    %broadcast_in_dim3A_80 = vector.shape_cast %reduce_max3A_79 : vector<4xf32> to vector<4x1xf32>
    %sub3A_81 = vector.broadcast %broadcast_in_dim3A_80 : vector<4x1xf32> to vector<4x3xf32>
    %sub3A_82 = arith.subf %add3A_77, %sub3A_81 : vector<4x3xf32>
    %exp3A_83 = math.exp %sub3A_82 : vector<4x3xf32>
    %reduce_sum3A_84 = arith.constant dense<0.000000e+00> : vector<4xf32>
    %reduce_sum3A_85 = vector.multi_reduction <add>, %exp3A_83, %reduce_sum3A_84 [1] : vector<4x3xf32> to vector<4xf32>
    %broadcast_in_dim3A_86 = vector.shape_cast %reduce_sum3A_85 : vector<4xf32> to vector<4x1xf32>
    %div3A_87 = vector.broadcast %broadcast_in_dim3A_86 : vector<4x1xf32> to vector<4x3xf32>
    %div3A_88 = arith.divf %exp3A_83, %div3A_87 : vector<4x3xf32>
    %get3A_89 = arith.constant 0 : index
    %get3A_90 = arith.constant 0 : index
    %get3A_91 = vector.load %arg7[%get3A_89, %get3A_90] : memref<1x1xi32, #tpu.memory_space<vmem>>, vector<1x1xi32>
    %get3A_92 = vector.extract %get3A_91[0, 0] : i32 from vector<1x1xi32>
    %ne3A = arith.constant 0 : i32
    %ne3A_93 = arith.cmpi ne, %get3A_92, %ne3A : i32
    %select_n3A = arith.select %ne3A_93, %div3A_88, %div3A_73 : vector<4x3xf32>
    %swap3A_94 = arith.constant 0 : index
    %swap3A_95 = arith.constant 0 : index
    %swap3A_96 = vector.load %arg8[%swap3A_94, %swap3A_95] : memref<4x3xf32, #tpu.memory_space<vmem>>, vector<4x3xf32>
    tpu.vector_store %arg8[%swap3A_94, %swap3A_95], %select_n3A {strides = array<i32>} : memref<4x3xf32, #tpu.memory_space<vmem>>, vector<4x3xf32>,
    return
  }
}

</mosaic_0001>

<sc_bundles>
// kernel: kernel.6.cloned.1.call-start
scs
__scs_entry_jumppad:
0x0: {  	(pc) =	sbr.rel $0x88, $3  }
0x1: {  	(tag) =	ssettag $0x0;
	lr =	simm.s32 $0x1  }
0x2: {  	[smem:$0x3F9A] =	sst lr;
	_ =	strace $0xD0000000  }
0x3: {  	_ = 	snop  }
0x4: {  	_ = 	snop  }
0x5: {  	_ = 	snop  }
0x6: {  	_ = 	snop  }
0x7: {  	_ = 	snop  }
__scs_overlays_trampoline_lowered:
0x8: {  	[smem:$0x3FA9] =	sst s0  }
0x9: {  	[smem:$0x3FAA] =	sst s1  }
0xa: {  	[smem:$0x3FAB] =	sst s2  }
0xb: {  	[smem:$0x3FAC] =	sst s3  }
0xc: {  	[smem:$0x3FAD] =	sst s4  }
0xd: {  	[smem:$0x3FAE] =	sst s5  }
0xe: {  	[smem:$0x3FAF] =	sst s6  }
0xf: {  	[smem:$0x3FB0] =	sst s7  }
0x10: {  	[smem:$0x3FB1] =	sst s8  }
0x11: {  	[smem:$0x3FB2] =	sst s9;
	s0 =	simm.s32 @!p0 $0x0  }
0x12: {  	s1 =	sld [smem:$0x3F98];
	s0 =	simm.s32 @p0 $0x1  }
0x13: {  	[smem:$0x3FB3] =	sst s0;
	s0 =	simm.s32 @!p1 $0x0  }
0x14: {  	s2 =	sld [smem:$0x3F97];
	s0 =	simm.s32 @p1 $0x1  }
0x15: {  	[smem:$0x3FB4] =	sst s0;
	s0 =	simm.s32 @!p2 $0x0  }
0x16: {  	s3 =	sld [smem:$0x3FDB];
	s0 =	simm.s32 @p2 $0x1  }
0x17: {  	s4 =	simm.s32 $0x1BF5;
	[smem:$0x3FB6] =	sst s0  }
0x18: {  	s0 =	sld [smem:$0x3F99];
	_ =	swait.ge [sflag:s4], $0x0  }
0x19: {  	s7 =	sld [smem:$0x3F9A]  }
0x1a: {  	s8 =	sadd.s32 $0xFFFFE003, lr  }
0x1b: {  	s9 =	sadd.s32 $0xFFFFFEF7, lr;
	s5 =	simm.s32 $0xFFFFFFFF;
	p2 =	slt.u32 s8, $0xFFFFF086  }
0x1c: {  	p1 =	slt.u32 s9, $0xF7A;
	s5 =	simm.s32 @!p2 $0x0  }
0x1d: {  	s5 =	simm.s32 @p1 $0x1;
	p0 =	seq.s32 s7, s2  }
0x1e: {  	s7 =	smul.u32 @!p0 $0xF7A, s2;
	p2 =	seq.s32 @!p0 s5, $0x0  }
0x1f: {  	s9 =	smul.u32 $0xF7A, s1;
	s8 =	simm.s32 @!p0 $0x1BF5;
	p2 =	por !p2, p0  }
0x20: {  	[sflag:s8] =	ssyncset.s32 @!p0 $0xFFFFF086;
	s6 =	sadd.s32 @!p0 s3, s7;
	s7 =	simm.s32 @!p0 $0x108  }
0x21: {  	s3 =	sadd.s32 s3, s9;
	s6 =	sadd.s32 @!p0 $0x88, s6;
	s7 =	simm.s32 @p2 $0x1082  }
0x22: {  	[simem:s7], [sflag:s8] =	dma.local @!p0 [hbm:s6], $0xF7A  }
0x23: {  	s9 =	sor.u32 $0xD0000000, s2;
	s6 =	simm.s32 $0x108;
	_ =	swait.ge @!p0 [sflag:s8], $0x0  }
0x24: {  	s3 =	sadd.s32 $0x88, s3;
	s6 =	simm.s32 @!p1 $0x1082;
	[sflag:s4] =	ssyncset.s32 $0xFFFFF086  }
0x25: {  	[simem:s6], [sflag:s4] =	dma.local [hbm:s3], $0xF7A  }
0x26: {  	[smem:$0x3F9A] =	sst s1;
	(tag) =	ssettag s2;
	_ =	strace s9  }
0x27: {  	s1 =	sld [smem:$0x3FAA]  }
0x28: {  	s2 =	sld [smem:$0x3FAB]  }
0x29: {  	s4 =	sld [smem:$0x3FAD]  }
0x2a: {  	p0 =	seq.s32 s5, $0x0;
	s5 =	sld [smem:$0x3FAE]  }
0x2b: {  	s6 =	sld [smem:$0x3FAF]  }
0x2c: {  	s7 =	sld [smem:$0x3FB0]  }
0x2d: {  	s3 =	simm.s32 $0x108;
	s8 =	sld [smem:$0x3FB1]  }
0x2e: {  	s3 =	simm.s32 @!p0 $0x1082;
	s9 =	sld [smem:$0x3FB2]  }
0x2f: {  	lr =	sadd.s32 s0, s3;
	s0 =	sld [smem:$0x3FA9]  }
0x30: {  	s3 =	sld [smem:$0x3FAC]  }
0x31: {  	[smem:$0x3FB5] =	sst s10  }
0x32: {  	s10 =	sld [smem:$0x3FB3];
	_ =	sdelay $0x3  }
0x33: {  	p0 =	seq.s32 s10, $0x1;
	s10 =	sld [smem:$0x3FB5];
	_ =	sdelay $0x3  }
0x34: {  	[smem:$0x3FB5] =	sst s10  }
0x35: {  	s10 =	sld [smem:$0x3FB4];
	_ =	sdelay $0x3  }
0x36: {  	p1 =	seq.s32 s10, $0x1;
	s10 =	sld [smem:$0x3FB5];
	_ =	sdelay $0x3  }
0x37: {  	[smem:$0x3FB5] =	sst s10  }
0x38: {  	s10 =	sld [smem:$0x3FB6]  }
0x39: {  	_ = 	snop;
	(pc) =	sbr.ind lr, $3  }
0x3a: {  	_ = 	snop  }
0x3b: {  	_ = 	snop  }
0x3c: {  	p2 =	seq.s32 s10, $0x1;
	s10 =	sld [smem:$0x3FB5]  }
0x3d: {  	_ =	shalt  }
0x3e: {  	_ =	shalt  }
0x3f: {  	_ =	shalt  }
0x40: {  	_ =	shalt  }
0x41: {  	_ =	shalt  }
0x42: {  	_ =	shalt  }
0x43: {  	_ =	shalt  }
0x44: {  	_ =	shalt  }
0x45: {  	_ =	shalt  }
0x46: {  	_ =	shalt  }
0x47: {  	_ =	shalt  }
0x48: {  	_ =	shalt  }
0x49: {  	_ =	shalt  }
0x4a: {  	_ =	shalt  }
0x4b: {  	_ =	shalt  }
0x4c: {  	_ =	shalt  }
0x4d: {  	_ =	shalt  }
0x4e: {  	_ =	shalt  }
0x4f: {  	_ =	shalt  }
0x50: {  	_ =	shalt  }
0x51: {  	_ =	shalt  }
0x52: {  	_ =	shalt  }
0x53: {  	_ =	shalt  }
0x54: {  	_ =	shalt  }
0x55: {  	_ =	shalt  }
0x56: {  	_ =	shalt  }
0x57: {  	_ =	shalt  }
0x58: {  	_ =	shalt  }
0x59: {  	_ =	shalt  }
0x5a: {  	_ =	shalt  }
0x5b: {  	_ =	shalt  }
0x5c: {  	_ =	shalt  }
0x5d: {  	_ =	shalt  }
0x5e: {  	_ =	shalt  }
0x5f: {  	_ =	shalt  }
0x60: {  	_ =	shalt  }
0x61: {  	_ =	shalt  }
0x62: {  	_ =	shalt  }
0x63: {  	_ =	shalt  }
0x64: {  	_ =	shalt  }
0x65: {  	_ =	shalt  }
0x66: {  	_ =	shalt  }
0x67: {  	_ =	shalt  }
0x68: {  	_ =	shalt  }
0x69: {  	_ =	shalt  }
0x6a: {  	_ =	shalt  }
0x6b: {  	_ =	shalt  }
0x6c: {  	_ =	shalt  }
0x6d: {  	_ =	shalt  }
0x6e: {  	_ =	shalt  }
0x6f: {  	_ =	shalt  }
0x70: {  	_ =	shalt  }
0x71: {  	_ =	shalt  }
0x72: {  	_ =	shalt  }
0x73: {  	_ =	shalt  }
0x74: {  	_ =	shalt  }
0x75: {  	_ =	shalt  }
0x76: {  	_ =	shalt  }
0x77: {  	_ =	shalt  }
0x78: {  	_ =	shalt  }
0x79: {  	_ =	shalt  }
0x7a: {  	_ =	shalt  }
0x7b: {  	_ =	shalt  }
0x7c: {  	_ =	shalt  }
0x7d: {  	_ =	shalt  }
0x7e: {  	_ =	shalt  }
0x7f: {  	_ =	shalt  }
0x80: {  	_ =	shalt  }
0x81: {  	_ =	shalt  }
0x82: {  	_ =	shalt  }
0x83: {  	_ =	shalt  }
0x84: {  	_ =	shalt  }
0x85: {  	_ =	shalt  }
0x86: {  	_ =	shalt  }
0x87: {  	_ =	shalt  }
.Lfunc_end0:
.L_simem_size_0:
called_computation_lowered:
.L_overlay_start_0:
0x88: {  	s2 =	sld [smem:$0x3FD9]  }
0x89: {  	s3 =	sld [smem:$0x3FFE];
	_ =	sdelay $0x1  }
0x8a: {  	s1 =	srdreg.scid  }
0x8b: {  	s0 =	sand.u32 $0x1, s1  }
0x8c: {  	s16 =	sshll.u32 s0, $0xA;
	s2 =	sadd.s32 s3, s2  }
0x8d: {  	s2 =	sadd.s32 s2, s16  }
0x8e: {  	[smem:$0x3FC1] =	sst s2  }
0x8f: {  	_ = 	snop  }
0x90: {  	(tm) =	ssettm $0x1  }
0x91: {  	s17 =	sld [smem:$0x3FFB];
	_ =	sdelay $0x3  }
0x92: {  	_ =	strace s17  }
0x93: {  	s2 =	sld [smem:$0x3FFC];
	_ =	sdelay $0x3  }
0x94: {  	_ =	strace s2  }
0x95: {  	s2 =	sld [smem:$0x3FFD];
	_ =	sdelay $0x3  }
0x96: {  	_ =	strace s2  }
0x97: {  	_ =	strace $0x8FFFFFFF  }
0x98: {  	s18 =	sld [smem:$0x3FDB];
	_ =	sdelay $0x1  }
0x99: {  	s19 =	simm.s32 $_scs_section_size  }
0x9a: {  	s4 =	simm.s32 $_size__tile_overlayer_lowered;
	s5 =	simm.s32 $_tile_overlayer_lowered  }
0x9b: {  	s22 =	simm.s32 $0x1BFF;
	s21 =	sshll.u32 s5, $0x1;
	s2 =	sadd.s32 s19, s18  }
0x9c: {  	s6 =	simm.s32 $0x0;
	s20 =	sshll.u32 s4, $0x1;
	s4 =	sadd.s32 s21, s2  }
0x9d: {  	[timem:s6], [sflag:s22] =	dma.local [hbm:s4], s20  }
0x9e: {  	_ =	swait.ge [sflag:s22], s20  }
0x9f: {  	s3 =	ssub.s32 $0x0, s20;
	[sflag:s22] =	ssyncset.done $0x0  }
0xa0: {  	[sflag:s22] =	ssyncadd.s32 s3;
	_ =	sdelay $0x1  }
0xa1: {  	s23 =	simm.s32 $0x1B8B  }
0xa2: {  	_ =	swait.ge [sflag:s23], $0x1  }
0xa3: {  	[sflag:s23] =	ssyncset.done $0x0  }
0xa4: {  	s25 =	simm.s32 $0x1B8E;
	s24 =	sld [smem:$0x3FFE];
	[sflag:s23] =	ssyncadd.s32 $0xFFFFFFFF  }
0xa5: {  	s26 =	simm.s32 $execute0_lowered;
	[smem:$0x3FD2] =	sst s25  }
0xa6: {  	s4 =	sshll.u32 s26, $0x1;
	_ =	strace $0x80000046;
	[dreg:$0x1] =	wrdreg $0xFFFFFFFF  }
0xa7: {  	s28 =	simm.s32 $_size_execute0_lowered;
	s2 =	sadd.s32 s2, s4;
	[dreg:$0x0] =	wrdreg $0x0  }
0xa8: {  	s4 =	sshll.u32 s28, $0x1;
	[dreg:$0x2] =	wrdreg s2  }
0xa9: {  	[dreg:$0x3] =	wrdreg s4  }
0xaa: {  	[dreg:$0x4] =	wrdreg $0xC0  }
0xab: {  	_ =	task [dreg:s6], $0x5FFFF  }
0xac: {  	[dreg:$0x1] =	wrdreg $0xFFFFFFFF  }
0xad: {  	[dreg:$0x0] =	wrdreg $0x60  }
0xae: {  	[dreg:$0x2] =	wrdreg s24  }
0xaf: {  	[dreg:$0x3] =	wrdreg $0x9  }
0xb0: {  	_ =	task.clear_ibuf [dreg:s6], $0x4FFFF;
	_ =	strace $0x90000046  }
0xb1: {  	s29 =	simm.s32 $0x9;
	_ =	strace $0x80000048  }
0xb2: {  	_ =	swait.ge [sflag:s29], $0x1  }
0xb3: {  	[sflag:s29] =	ssyncadd.s32 $0xFFFFFFFF  }
0xb4: {  	_ =	strace $0x90000048  }
0xb5: {  	_ =	sfence  }
0xb6: {  	s30 =	sld [smem:$0x0];
	_ =	sdelay $0x2  }
0xb7: {  	s31 =	sshll.u32 s1, $0xD;
	s1 =	sshrl.u32 s1, $0x2  }
0xb8: {  	s3 =	sand.u32 $0x4000, s31;
	s1 =	sadd.s32 s1, s30  }
0xb9: {  	s0 =	sor.u32 s3, s0;
	s1 =	sshll.u32 s1, $0x11  }
0xba: {  	s0 =	sor.u32 s1, s0  }
0xbb: {  	s0 =	sadd.s32 $0x8F2B, s0  }
0xbc: {  	[sflag:s0] =	ssyncadd.remote.s32 $0x1  }
0xbd: {  	_ =	sfence.sel $0xFFFF  }
0xbe: {  	[dreg:$0x0] =	wrdreg $0xFFFFFFFF;
	(pc) =	sbr.abs _section_cstart, $3  }
0xbf: {  	[dreg:$0x1] =	wrdreg $0xFFFFFFFF  }
0xc0: {  	_ =	task.clear_ibuf [dreg:s6], $0x2FFFF;
	_ =	strace $0x9FFFFFFF  }
0xc1: {  	(tm) =	ssettm $0x7FFFFFFF  }
tec
execute0_lowered:
.L_overlay_start_1:
0x0: {  	(tag) =	ssettag $0x1  }
0x1: {  	s3 =	rddreg [dreg:$0x0]  }
0x2: {  	s0 =	rddreg [dreg:$0x1];
	s4 =	srdreg.scid  }
0x3: {  	s2 =	simm.s32 $0x0;
	s1 =	stileid.u32;
	s4 =	sand.u32 $0x1, s4  }
0x4: {  	s7 =	simm.s32 $0x1000;
	s5 =	sshll.u32 s1, $0xA;
	s6 =	sshll.u32 s4, $0x9  }
0x5: {  	s8 =	simm.s32 $0x0;
	s4 =	ssub.s32 $0x2, s4;
	s5 =	sor.u32 s6, s5  }
0x6: {  	[smem:$0x7FF] =	sst s2;
	s31 =	sshrl.u32 s4, $0x1;
	s5 =	sadd.s32 s5, s3  }
0x7: {  	_ =	strace $0x80000047;
	s6 =	ssub.s32 s4, s31;
	s3 =	sadd.s32 $0x1200, s5  }
0x8: {  	v0 =	vimm.f32 $0.0e+00;
	v1 =	vimm.f32 $1.000000000e+00;
	s4 =	sadd.s32 $0x5200, s5;
	s5 =	smax.u32 s6, $0x1;
	s6 =	simm.s32 $0x1  }
.LBB2_1:
0x9: {  	[tilespmem:s2], [sflag:$0x1] =	stream.linear.gather [hbm4b:s3+s2], $0x1000, $0x38;
	[tilespmem:$0x2000] =	vst v63  }
0xa: {  	_ =	swait.ge [sflag:s6], $0x1000  }
0xb: {  	[sflag:s6] =	ssyncset.done $0x0  }
0xc: {  	s9 =	simm.s32 $0x0;
	[sflag:s6] =	ssyncadd.s32 $0xFFFFF000  }
.LBB2_2:
0xd: {  	p0 =	sne.s32 s9, $0x3FC0  }
.Ltmp0:
0xe: {  	_ = 	snop;
	(pc) =	sbr.rel @p0 .LBB2_2-.Ltmp0, $3  }
0xf: {  	_ =	sdelay $0x1  }
0x10: {  	s10 =	sshra.s32 s9, $0x2  }
0x11: {  	s9 =	sadd.s32 $0x40, s9;
	[tilespmem:s10+$0x1000] =	vst v0  }
0x12: {  	s10 =	simm.s32 $0x0;
	s9 =	simm.s32 $0x40  }
.LBB2_4:
0x13: {  	p0 =	sne.s32 s9, $0x3FC0;
	v2 =	vld [tilespmem:s10+$0x0];
	_ =	sdelay $0x4  }
0x14: {  	v2 =	vtrunc.f32 v2  }
0x15: {  	v2 =	vcvt.f32.s32 v2;
	_ =	sdelay $0x1  }
.Ltmp1:
0x16: {  	(pc) =	sbr.rel @p0 .LBB2_4-.Ltmp1, $2  }
0x17: {  	_ =	sdelay $0x2  }
0x18: {  	s10 =	sshra.s32 s9, $0x2;
	s9 =	sadd.s32 $0x40, s9;
	[tilespmem:v2+s7+$0x0] =	vst.idx.add.f32.msk $0xffff, v1  }
0x19: {  	v2 =	vld [tilespmem:s10+$0x0];
	_ =	sdelay $0x4  }
0x1a: {  	v2 =	vtrunc.f32 v2  }
0x1b: {  	v2 =	vcvt.f32.s32 v2;
	_ =	sdelay $0x3  }
0x1c: {  	s8 =	sadd.s32 $0x1, s8  }
0x1d: {  	p0 =	sne.s32 s8, s5  }
.Ltmp2:
0x1e: {  	[tilespmem:v2+s7+$0x0] =	vst.idx.add.f32.msk $0xffff, v1;
	(pc) =	sbr.rel @p0 .LBB2_1-.Ltmp2, $4  }
0x1f: {  	[hbm4b:s4+s2] =	stream.linear.scatter [tilespmem:s7], [sflag:$0x1], $0x1000, $0x38;
	[tilespmem:$0x2000] =	vst v63  }
0x20: {  	_ =	swait.ge [sflag:s6], $0x1000  }
0x21: {  	[sflag:s6] =	ssyncset.done $0x0  }
0x22: {  	[sflag:s6] =	ssyncadd.s32 $0xFFFFF000  }
0x23: {  	_ =	sfence.sel $0x180000  }
0x24: {  	[bflag:$0x0] =	sbarrier.arrive $0xFFFF  }
0x25: {  	p0 =	sne.s32 s1, $0x0;
	_ =	strace $0x90000047  }
0x26: {  	s0 =	sadd.s32 @!p0 $0x100000, s0;
	[bflag:$0x2] =	sbarrier.arrive $0xFFFF  }
0x27: {  	[sflag:s0] =	ssyncadd.tile.s32 @!p0 $0x1;
	_ =	shalt  }
.Lfunc_end2:
_tile_overlayer_lowered:
.L_overlay_start_2:
0x28: {  	(tag) =	ssettag $0x2  }
0x29: {  	s0 =	rddreg [dreg:$0x0];
	s2 =	stileid.u32  }
0x2a: {  	s1 =	rddreg [dreg:$0x1];
	p0 =	sne.s32 s2, $0x0  }
0x2b: {  	s3 =	rddreg [dreg:$0x2];
	[bflag:$0x3] =	sbarrier.arrive $0xFFFF;
	s2 =	simm.s32 @!p0 $0x1C01  }
0x2c: {  	[timem:s3], [sflag:s2] =	dma.local @!p0 [hbm:s0], s1  }
0x2d: {  	s0 =	simm.s32 @!p0 $0x1  }
0x2e: {  	_ =	swait.ge @!p0 [sflag:s0], s1  }
0x2f: {  	s1 =	ssub.s32 @!p0 $0x0, s1;
	[sflag:s0] =	ssyncset.done @!p0 $0x0  }
0x30: {  	[sflag:s0] =	ssyncadd.s32 @!p0 s1  }
0x31: {  	[bflag:$0x3] =	sbarrier.arrive $0xFFFF  }
0x32: {  	_ =	shalt  }

</sc_bundles>
